<compile_context>
chip_gen: v7x
topology: tpu7x:2x2x1
jax: 0.10.2.dev20260603
libtpu: 0.0.44.dev20260713+nightly
codegen_flags: <defaults>
</compile_context>

<pallas_src>
import functools

import jax
import jax.numpy as jnp
from jax import lax
from jax.experimental import pallas as pl
from jax.experimental.pallas import tpu as pltpu
from jax.experimental.pallas import tpu_sc as plsc

D = 128
LANES = 16
CHUNK = 128


def _embed_sum(ids, pids, sids, word_emb, pos_emb, sent_emb):
    NW, n_chunks, _ = ids.shape
    N = NW * n_chunks * CHUNK
    info = plsc.get_sparse_core_info()
    NC = info.num_cores
    per_w = n_chunks * CHUNK

    mesh = plsc.VectorSubcoreMesh(core_axis_name="c", subcore_axis_name="s")

    @functools.partial(
        pl.kernel,
        mesh=mesh,
        out_type=jax.ShapeDtypeStruct((N, D), jnp.float32),
        scratch_types=[
            pltpu.VMEM((n_chunks, CHUNK), jnp.int32),
            pltpu.VMEM((n_chunks, CHUNK), jnp.int32),
            pltpu.VMEM((n_chunks, CHUNK), jnp.int32),
            pltpu.VMEM((CHUNK, D), jnp.float32),
            pltpu.VMEM((CHUNK, D), jnp.float32),
            pltpu.VMEM((CHUNK, D), jnp.float32),
            pltpu.VMEM((CHUNK, D), jnp.float32),
            pltpu.VMEM((CHUNK, D), jnp.float32),
            pltpu.VMEM_SHARED((4096, D), jnp.float32),
            pltpu.VMEM_SHARED((64, D), jnp.float32),
        ] + [pltpu.SemaphoreType.DMA] * 7,
    )
    def k(ids_hbm, pids_hbm, sids_hbm, word_hbm, pos_hbm, sent_hbm, out_hbm,
          widx, pidx, sidx, wrows0, wrows1, prows0, prows1, srows1,
          pos_sh, sent_sh, sem_w0, sem_w1, sem_p0, sem_p1, sem_s0,
          sem_o0, sem_o1):
        wid = lax.axis_index("s") * NC + lax.axis_index("c")
        base = wid * per_w

        wrows = (wrows0, wrows1)
        prows = (prows0, prows1)
        srows = srows1
        sem_w = (sem_w0, sem_w1)
        sem_p = (sem_p0, sem_p1)
        sem_s = sem_s0
        sem_o = (sem_o0, sem_o1)

        def start_word(c):
            b = c & 1
            return pltpu.async_copy(word_hbm.at[widx.at[c]], wrows[b],
                                    sem_w[b])

        def start_pos(c):
            b = c & 1
            return pltpu.async_copy(pos_sh.at[pidx.at[c]], prows[b], sem_p[b])

        def start_sent(c):
            return pltpu.async_copy(sent_sh.at[sidx.at[c]], srows, sem_s)

        pltpu.sync_copy(ids_hbm.at[wid], widx)
        pltpu.sync_copy(pids_hbm.at[wid], pidx)
        pltpu.sync_copy(sids_hbm.at[wid], sidx)
        pend_w = {0: start_word(0), 1: start_word(1)}

        sid_ax = lax.axis_index("s")
        rows_per_tile = pos_hbm.shape[0] // 16
        pltpu.sync_copy(
            pos_hbm.at[pl.ds(sid_ax * rows_per_tile, rows_per_tile)],
            pos_sh.at[pl.ds(sid_ax * rows_per_tile, rows_per_tile)])
        pltpu.sync_copy(sent_hbm, sent_sh.at[pl.ds(sid_ax * 4, 4)])

        soff = jnp.full((LANES,), 4, jnp.int32) * sid_ax
        for cc in range(n_chunks):
            for jj in range(CHUNK // LANES):
                ssl = pl.ds(jj * LANES, LANES)
                sidx[cc, ssl] = sidx[cc, ssl] + soff

        plsc.subcore_barrier()

        pend_p = {0: start_pos(0), 1: start_pos(1)}
        cs_pend = start_sent(0)
        out_pend = {}
        for c in range(n_chunks):
            b = c & 1
            if c + 1 < n_chunks:
                if (c - 1) in out_pend:
                    out_pend.pop(c - 1).wait()
                if c + 1 not in pend_w:
                    pend_w[c + 1] = start_word(c + 1)
                    pend_p[c + 1] = start_pos(c + 1)
            pend_w.pop(c).wait()
            pend_p.pop(c).wait()
            cs_pend.wait()

            @plsc.parallel_loop(0, CHUNK, step=1, unroll=2)
            def _add(r):
                for j in range(D // LANES):
                    sl = pl.ds(j * LANES, LANES)
                    v = prows[b][r, sl] + srows[r, sl]
                    plsc.addupdate(wrows[b].at[r, sl], v)

            if c + 1 < n_chunks:
                cs_pend = start_sent(c + 1)
            out_pend[c] = pltpu.async_copy(
                wrows[b], out_hbm.at[pl.ds(base + c * CHUNK, CHUNK)], sem_o[b])
        for c in sorted(out_pend):
            out_pend.pop(c).wait()

    return k(ids, pids, sids, word_emb, pos_emb, sent_emb)


def kernel(input_ids, sent_ids_tensor, position_ids, word_embedding,
           pos_embedding, sent_embedding):
    B, S = input_ids.shape
    N = B * S
    info = plsc.get_sparse_core_info()
    NW = info.num_cores * info.num_subcores
    per_w = N // NW
    n_chunks = per_w // CHUNK
    ids = input_ids.reshape(NW, n_chunks, CHUNK).astype(jnp.int32)
    pids = position_ids.reshape(NW, n_chunks, CHUNK).astype(jnp.int32)
    sids = sent_ids_tensor.reshape(NW, n_chunks, CHUNK).astype(jnp.int32)
    out = _embed_sum(ids, pids, sids, word_embedding, pos_embedding,
                     sent_embedding)
    return out.reshape(B, S, D)

# --- scband reference (transcript-rebuilt; emitter-appended) ---
"""Pipeline reference for scband-embedding-layer-72146860638880 (READ-ONLY COPY).

The authoritative reference and input builder live on the scoring server;
editing this copy changes nothing except your own understanding.
"""

import jax, jax.numpy as jnp
import numpy as np

VOCAB = 100000
MAX_POS = 4096
N_SENT = 4
D = 128
B = 4
S = 4096

def setup_inputs(seed: int = 0) -> dict:
    key = jax.random.key(seed)
    k1, k2, k3, k4, k5, k6 = jax.random.split(key, 6)
    input_ids = jax.random.randint(k1, (B, S), 0, VOCAB, dtype=jnp.int64) if jax.config.jax_enable_x64 else jax.random.randint(k1, (B, S), 0, VOCAB, dtype=jnp.int32)
    sent_ids_tensor = jax.random.randint(k2, (B, S), 0, N_SENT, dtype=input_ids.dtype)
    position_ids = jax.random.randint(k3, (B, S), 0, MAX_POS, dtype=input_ids.dtype)
    word_embedding = jax.random.normal(k4, (VOCAB, D), dtype=jnp.float32) * 0.02
    pos_embedding = jax.random.normal(k5, (MAX_POS, D), dtype=jnp.float32) * 0.02
    sent_embedding = jax.random.normal(k6, (N_SENT, D), dtype=jnp.float32) * 0.02
    return {
        "input_ids": input_ids,
        "sent_ids_tensor": sent_ids_tensor,
        "position_ids": position_ids,
        "word_embedding": word_embedding,
        "pos_embedding": pos_embedding,
        "sent_embedding": sent_embedding,
    }

def reference(input_ids, sent_ids_tensor, position_ids, word_embedding, pos_embedding, sent_embedding):
    words_embeddings = jnp.take(word_embedding, input_ids, axis=0)
    position_embeddings = jnp.take(pos_embedding, position_ids, axis=0)
    sent_embedded = jnp.take(sent_embedding, sent_ids_tensor, axis=0)
    embeddings = words_embeddings + position_embeddings + sent_embedded
    return embeddings

if __name__ == "__main__":
    import jax
    _d = setup_inputs()
    print(jax.jit(kernel)(*tuple(_d.values())))

</pallas_src>

<mosaic_0001>
#map = affine_map<(d0, d1) -> (0, 0, 0)>
#map1 = affine_map<(d0, d1) -> (0, 0)>
module attributes {stable_mosaic.version = 14 : i64} {
  func.func @k(%arg0: i32, %arg1: i32, %arg2: memref<32x4x128xi32, #tpu.memory_space<hbm>>, %arg3: memref<32x4x128xi32, #tpu.memory_space<hbm>>, %arg4: memref<32x4x128xi32, #tpu.memory_space<hbm>>, %arg5: memref<100000x128xf32, #tpu.memory_space<hbm>>, %arg6: memref<4096x128xf32, #tpu.memory_space<hbm>>, %arg7: memref<4x128xf32, #tpu.memory_space<hbm>>, %arg8: memref<16384x128xf32, #tpu.memory_space<hbm>>, %arg9: memref<4x128xi32, #tpu.memory_space<vmem>>, %arg10: memref<4x128xi32, #tpu.memory_space<vmem>>, %arg11: memref<4x128xi32, #tpu.memory_space<vmem>>, %arg12: memref<128x128xf32, #tpu.memory_space<vmem>>, %arg13: memref<128x128xf32, #tpu.memory_space<vmem>>, %arg14: memref<128x128xf32, #tpu.memory_space<vmem>>, %arg15: memref<128x128xf32, #tpu.memory_space<vmem>>, %arg16: memref<128x128xf32, #tpu.memory_space<vmem>>, %arg17: memref<4096x128xf32, #tpu.memory_space<vmem_shared>>, %arg18: memref<64x128xf32, #tpu.memory_space<vmem_shared>>, %arg19: memref<!tpu.dma_semaphore, #tpu.memory_space<semaphore_mem>>, %arg20: memref<!tpu.dma_semaphore, #tpu.memory_space<semaphore_mem>>, %arg21: memref<!tpu.dma_semaphore, #tpu.memory_space<semaphore_mem>>, %arg22: memref<!tpu.dma_semaphore, #tpu.memory_space<semaphore_mem>>, %arg23: memref<!tpu.dma_semaphore, #tpu.memory_space<semaphore_mem>>, %arg24: memref<!tpu.dma_semaphore, #tpu.memory_space<semaphore_mem>>, %arg25: memref<!tpu.dma_semaphore, #tpu.memory_space<semaphore_mem>>) attributes {dimension_semantics = [#tpu.dimension_semantics<core_parallel>, #tpu.dimension_semantics<subcore_parallel>], iteration_bounds = array<i64: 2, 16>, scalar_prefetch = 0 : i64, scratch_operands = 17 : i64, tpu.core_type = #tpu.core_type<sc_vector_subcore>, window_params = [{transform_indices = #map}, {transform_indices = #map}, {transform_indices = #map}, {transform_indices = #map1}, {transform_indices = #map1}, {transform_indices = #map1}, {transform_indices = #map1}]} {
    %mul3A = arith.constant 2 : i32
    %mul3A_0 = arith.muli %arg1, %mul3A : i32
    %add3A = arith.addi %mul3A_0, %arg0 : i32
    %mul3A_1 = arith.constant 512 : i32
    %mul3A_2 = arith.muli %add3A, %mul3A_1 : i32
    "tpu.region"() ({
      %run_scoped3A = tpu.sem_alloc : memref<!tpu.dma_semaphore, #tpu.memory_space<semaphore_mem>>
      %dma_start3A_611 = arith.constant 0 : i32
      %dma_start3A_612 = arith.constant 0 : i32
      %dma_start3A_613 = tpu.memref_slice %arg2[%add3A, %dma_start3A_611, %dma_start3A_612] : memref<32x4x128xi32, #tpu.memory_space<hbm>> -> memref<1x4x128xi32, #tpu.memory_space<hbm>>
      %dma_start3A_614 = tpu.memref_squeeze %dma_start3A_613 : memref<1x4x128xi32, #tpu.memory_space<hbm>> -> memref<4x128xi32, #tpu.memory_space<hbm>>
      %dma_start3A_615 = arith.constant 0 : i32
      %dma_start3A_616 = arith.constant 0 : i32
      %dma_start3A_617 = tpu.memref_slice %arg2[%add3A, %dma_start3A_615, %dma_start3A_616] : memref<32x4x128xi32, #tpu.memory_space<hbm>> -> memref<1x4x128xi32, #tpu.memory_space<hbm>>
      %dma_start3A_618 = tpu.memref_squeeze %dma_start3A_617 : memref<1x4x128xi32, #tpu.memory_space<hbm>> -> memref<4x128xi32, #tpu.memory_space<hbm>>
      tpu.enqueue_dma source(%dma_start3A_618 : memref<4x128xi32, #tpu.memory_space<hbm>>) target(%arg9 : memref<4x128xi32, #tpu.memory_space<vmem>>) target_semaphore(%run_scoped3A : memref<!tpu.dma_semaphore, #tpu.memory_space<semaphore_mem>>)
      %dma_wait3A_619 = arith.constant 0 : i32
      %dma_wait3A_620 = arith.constant 0 : i32
      %dma_wait3A_621 = tpu.memref_slice %arg2[%add3A, %dma_wait3A_619, %dma_wait3A_620] : memref<32x4x128xi32, #tpu.memory_space<hbm>> -> memref<1x4x128xi32, #tpu.memory_space<hbm>>
      %dma_wait3A_622 = tpu.memref_squeeze %dma_wait3A_621 : memref<1x4x128xi32, #tpu.memory_space<hbm>> -> memref<4x128xi32, #tpu.memory_space<hbm>>
      %dma_wait3A_623 = arith.constant 0 : i32
      %dma_wait3A_624 = arith.constant 0 : i32
      %dma_wait3A_625 = tpu.memref_slice %arg2[%add3A, %dma_wait3A_623, %dma_wait3A_624] : memref<32x4x128xi32, #tpu.memory_space<hbm>> -> memref<1x4x128xi32, #tpu.memory_space<hbm>>
      %dma_wait3A_626 = tpu.memref_squeeze %dma_wait3A_625 : memref<1x4x128xi32, #tpu.memory_space<hbm>> -> memref<4x128xi32, #tpu.memory_space<hbm>>
      tpu.wait_dma2 semaphore(%run_scoped3A : memref<!tpu.dma_semaphore, #tpu.memory_space<semaphore_mem>>) src(%dma_wait3A_626 : memref<4x128xi32, #tpu.memory_space<hbm>>) dst(%arg9 : memref<4x128xi32, #tpu.memory_space<vmem>>)
      tpu.yield
    }) : () -> ()
    "tpu.region"() ({
      %run_scoped3A = tpu.sem_alloc : memref<!tpu.dma_semaphore, #tpu.memory_space<semaphore_mem>>
      %dma_start3A_611 = arith.constant 0 : i32
      %dma_start3A_612 = arith.constant 0 : i32
      %dma_start3A_613 = tpu.memref_slice %arg3[%add3A, %dma_start3A_611, %dma_start3A_612] : memref<32x4x128xi32, #tpu.memory_space<hbm>> -> memref<1x4x128xi32, #tpu.memory_space<hbm>>
      %dma_start3A_614 = tpu.memref_squeeze %dma_start3A_613 : memref<1x4x128xi32, #tpu.memory_space<hbm>> -> memref<4x128xi32, #tpu.memory_space<hbm>>
      %dma_start3A_615 = arith.constant 0 : i32
      %dma_start3A_616 = arith.constant 0 : i32
      %dma_start3A_617 = tpu.memref_slice %arg3[%add3A, %dma_start3A_615, %dma_start3A_616] : memref<32x4x128xi32, #tpu.memory_space<hbm>> -> memref<1x4x128xi32, #tpu.memory_space<hbm>>
      %dma_start3A_618 = tpu.memref_squeeze %dma_start3A_617 : memref<1x4x128xi32, #tpu.memory_space<hbm>> -> memref<4x128xi32, #tpu.memory_space<hbm>>
      tpu.enqueue_dma source(%dma_start3A_618 : memref<4x128xi32, #tpu.memory_space<hbm>>) target(%arg10 : memref<4x128xi32, #tpu.memory_space<vmem>>) target_semaphore(%run_scoped3A : memref<!tpu.dma_semaphore, #tpu.memory_space<semaphore_mem>>)
      %dma_wait3A_619 = arith.constant 0 : i32
      %dma_wait3A_620 = arith.constant 0 : i32
      %dma_wait3A_621 = tpu.memref_slice %arg3[%add3A, %dma_wait3A_619, %dma_wait3A_620] : memref<32x4x128xi32, #tpu.memory_space<hbm>> -> memref<1x4x128xi32, #tpu.memory_space<hbm>>
      %dma_wait3A_622 = tpu.memref_squeeze %dma_wait3A_621 : memref<1x4x128xi32, #tpu.memory_space<hbm>> -> memref<4x128xi32, #tpu.memory_space<hbm>>
      %dma_wait3A_623 = arith.constant 0 : i32
      %dma_wait3A_624 = arith.constant 0 : i32
      %dma_wait3A_625 = tpu.memref_slice %arg3[%add3A, %dma_wait3A_623, %dma_wait3A_624] : memref<32x4x128xi32, #tpu.memory_space<hbm>> -> memref<1x4x128xi32, #tpu.memory_space<hbm>>
      %dma_wait3A_626 = tpu.memref_squeeze %dma_wait3A_625 : memref<1x4x128xi32, #tpu.memory_space<hbm>> -> memref<4x128xi32, #tpu.memory_space<hbm>>
      tpu.wait_dma2 semaphore(%run_scoped3A : memref<!tpu.dma_semaphore, #tpu.memory_space<semaphore_mem>>) src(%dma_wait3A_626 : memref<4x128xi32, #tpu.memory_space<hbm>>) dst(%arg10 : memref<4x128xi32, #tpu.memory_space<vmem>>)
      tpu.yield
    }) : () -> ()
    "tpu.region"() ({
      %run_scoped3A = tpu.sem_alloc : memref<!tpu.dma_semaphore, #tpu.memory_space<semaphore_mem>>
      %dma_start3A_611 = arith.constant 0 : i32
      %dma_start3A_612 = arith.constant 0 : i32
      %dma_start3A_613 = tpu.memref_slice %arg4[%add3A, %dma_start3A_611, %dma_start3A_612] : memref<32x4x128xi32, #tpu.memory_space<hbm>> -> memref<1x4x128xi32, #tpu.memory_space<hbm>>
      %dma_start3A_614 = tpu.memref_squeeze %dma_start3A_613 : memref<1x4x128xi32, #tpu.memory_space<hbm>> -> memref<4x128xi32, #tpu.memory_space<hbm>>
      %dma_start3A_615 = arith.constant 0 : i32
      %dma_start3A_616 = arith.constant 0 : i32
      %dma_start3A_617 = tpu.memref_slice %arg4[%add3A, %dma_start3A_615, %dma_start3A_616] : memref<32x4x128xi32, #tpu.memory_space<hbm>> -> memref<1x4x128xi32, #tpu.memory_space<hbm>>
      %dma_start3A_618 = tpu.memref_squeeze %dma_start3A_617 : memref<1x4x128xi32, #tpu.memory_space<hbm>> -> memref<4x128xi32, #tpu.memory_space<hbm>>
      tpu.enqueue_dma source(%dma_start3A_618 : memref<4x128xi32, #tpu.memory_space<hbm>>) target(%arg11 : memref<4x128xi32, #tpu.memory_space<vmem>>) target_semaphore(%run_scoped3A : memref<!tpu.dma_semaphore, #tpu.memory_space<semaphore_mem>>)
      %dma_wait3A_619 = arith.constant 0 : i32
      %dma_wait3A_620 = arith.constant 0 : i32
      %dma_wait3A_621 = tpu.memref_slice %arg4[%add3A, %dma_wait3A_619, %dma_wait3A_620] : memref<32x4x128xi32, #tpu.memory_space<hbm>> -> memref<1x4x128xi32, #tpu.memory_space<hbm>>
      %dma_wait3A_622 = tpu.memref_squeeze %dma_wait3A_621 : memref<1x4x128xi32, #tpu.memory_space<hbm>> -> memref<4x128xi32, #tpu.memory_space<hbm>>
      %dma_wait3A_623 = arith.constant 0 : i32
      %dma_wait3A_624 = arith.constant 0 : i32
      %dma_wait3A_625 = tpu.memref_slice %arg4[%add3A, %dma_wait3A_623, %dma_wait3A_624] : memref<32x4x128xi32, #tpu.memory_space<hbm>> -> memref<1x4x128xi32, #tpu.memory_space<hbm>>
      %dma_wait3A_626 = tpu.memref_squeeze %dma_wait3A_625 : memref<1x4x128xi32, #tpu.memory_space<hbm>> -> memref<4x128xi32, #tpu.memory_space<hbm>>
      tpu.wait_dma2 semaphore(%run_scoped3A : memref<!tpu.dma_semaphore, #tpu.memory_space<semaphore_mem>>) src(%dma_wait3A_626 : memref<4x128xi32, #tpu.memory_space<hbm>>) dst(%arg11 : memref<4x128xi32, #tpu.memory_space<vmem>>)
      tpu.yield
    }) : () -> ()
    %dma_start3A = arith.constant 0 : i32
    %dma_start3A_3 = arith.constant 0 : i32
    %dma_start3A_4 = tpu.memref_slice %arg9[%dma_start3A, %dma_start3A_3] : memref<4x128xi32, #tpu.memory_space<vmem>> -> memref<1x128xi32, #tpu.memory_space<vmem>>
    %dma_start3A_5 = tpu.memref_squeeze %dma_start3A_4 : memref<1x128xi32, #tpu.memory_space<vmem>> -> memref<128xi32, #tpu.memory_space<vmem>>
    %dma_start3A_6 = arith.constant 0 : i32
    %dma_start3A_7 = arith.constant 0 : i32
    %dma_start3A_8 = tpu.memref_slice %arg5[%dma_start3A_6, %dma_start3A_7] : memref<100000x128xf32, #tpu.memory_space<hbm>> -> memref<100000x128xf32, #tpu.memory_space<hbm>>
    tpu.enqueue_indirect_dma source(%dma_start3A_8 : memref<100000x128xf32, #tpu.memory_space<hbm>>) target(%arg12 : memref<128x128xf32, #tpu.memory_space<vmem>>) offsets(%dma_start3A_5 : memref<128xi32, #tpu.memory_space<vmem>>) semaphore(%arg19 : memref<!tpu.dma_semaphore, #tpu.memory_space<semaphore_mem>>)
    %dma_start3A_9 = arith.constant 1 : i32
    %dma_start3A_10 = arith.constant 0 : i32
    %dma_start3A_11 = tpu.memref_slice %arg9[%dma_start3A_9, %dma_start3A_10] : memref<4x128xi32, #tpu.memory_space<vmem>> -> memref<1x128xi32, #tpu.memory_space<vmem>>
    %dma_start3A_12 = tpu.memref_squeeze %dma_start3A_11 : memref<1x128xi32, #tpu.memory_space<vmem>> -> memref<128xi32, #tpu.memory_space<vmem>>
    %dma_start3A_13 = arith.constant 0 : i32
    %dma_start3A_14 = arith.constant 0 : i32
    %dma_start3A_15 = tpu.memref_slice %arg5[%dma_start3A_13, %dma_start3A_14] : memref<100000x128xf32, #tpu.memory_space<hbm>> -> memref<100000x128xf32, #tpu.memory_space<hbm>>
    tpu.enqueue_indirect_dma source(%dma_start3A_15 : memref<100000x128xf32, #tpu.memory_space<hbm>>) target(%arg13 : memref<128x128xf32, #tpu.memory_space<vmem>>) offsets(%dma_start3A_12 : memref<128xi32, #tpu.memory_space<vmem>>) semaphore(%arg20 : memref<!tpu.dma_semaphore, #tpu.memory_space<semaphore_mem>>)
    %mul3A_16 = arith.constant 256 : i32
    %mul3A_17 = arith.muli %arg1, %mul3A_16 : i32
    %mul3A_18 = arith.constant 256 : i32
    %mul3A_19 = arith.muli %arg1, %mul3A_18 : i32
    "tpu.region"() ({
      %run_scoped3A = tpu.sem_alloc : memref<!tpu.dma_semaphore, #tpu.memory_space<semaphore_mem>>
      %dma_start3A_611 = arith.constant 0 : i32
      %dma_start3A_612 = tpu.memref_slice %arg17[%mul3A_19, %dma_start3A_611] : memref<4096x128xf32, #tpu.memory_space<vmem_shared>> -> memref<256x128xf32, #tpu.memory_space<vmem_shared>>
      %dma_start3A_613 = arith.constant 0 : i32
      %dma_start3A_614 = tpu.memref_slice %arg6[%mul3A_17, %dma_start3A_613] : memref<4096x128xf32, #tpu.memory_space<hbm>> -> memref<256x128xf32, #tpu.memory_space<hbm>>
      tpu.enqueue_dma source(%dma_start3A_614 : memref<256x128xf32, #tpu.memory_space<hbm>>) target(%dma_start3A_612 : memref<256x128xf32, #tpu.memory_space<vmem_shared>>) target_semaphore(%run_scoped3A : memref<!tpu.dma_semaphore, #tpu.memory_space<semaphore_mem>>)
      %dma_wait3A_615 = arith.constant 0 : i32
      %dma_wait3A_616 = tpu.memref_slice %arg17[%mul3A_19, %dma_wait3A_615] : memref<4096x128xf32, #tpu.memory_space<vmem_shared>> -> memref<256x128xf32, #tpu.memory_space<vmem_shared>>
      %dma_wait3A_617 = arith.constant 0 : i32
      %dma_wait3A_618 = tpu.memref_slice %arg6[%mul3A_17, %dma_wait3A_617] : memref<4096x128xf32, #tpu.memory_space<hbm>> -> memref<256x128xf32, #tpu.memory_space<hbm>>
      tpu.wait_dma2 semaphore(%run_scoped3A : memref<!tpu.dma_semaphore, #tpu.memory_space<semaphore_mem>>) src(%dma_wait3A_618 : memref<256x128xf32, #tpu.memory_space<hbm>>) dst(%dma_wait3A_616 : memref<256x128xf32, #tpu.memory_space<vmem_shared>>)
      tpu.yield
    }) : () -> ()
    %mul3A_20 = arith.constant 4 : i32
    %mul3A_21 = arith.muli %arg1, %mul3A_20 : i32
    "tpu.region"() ({
      %run_scoped3A = tpu.sem_alloc : memref<!tpu.dma_semaphore, #tpu.memory_space<semaphore_mem>>
      %dma_start3A_611 = arith.constant 0 : i32
      %dma_start3A_612 = tpu.memref_slice %arg18[%mul3A_21, %dma_start3A_611] : memref<64x128xf32, #tpu.memory_space<vmem_shared>> -> memref<4x128xf32, #tpu.memory_space<vmem_shared>>
      tpu.enqueue_dma source(%arg7 : memref<4x128xf32, #tpu.memory_space<hbm>>) target(%dma_start3A_612 : memref<4x128xf32, #tpu.memory_space<vmem_shared>>) target_semaphore(%run_scoped3A : memref<!tpu.dma_semaphore, #tpu.memory_space<semaphore_mem>>)
      %dma_wait3A_613 = arith.constant 0 : i32
      %dma_wait3A_614 = tpu.memref_slice %arg18[%mul3A_21, %dma_wait3A_613] : memref<64x128xf32, #tpu.memory_space<vmem_shared>> -> memref<4x128xf32, #tpu.memory_space<vmem_shared>>
      tpu.wait_dma2 semaphore(%run_scoped3A : memref<!tpu.dma_semaphore, #tpu.memory_space<semaphore_mem>>) src(%arg7 : memref<4x128xf32, #tpu.memory_space<hbm>>) dst(%dma_wait3A_614 : memref<4x128xf32, #tpu.memory_space<vmem_shared>>)
      tpu.yield
    }) : () -> ()
    %broadcast_in_dim3A = arith.constant 4 : i32
    %broadcast_in_dim3A_22 = vector.broadcast %broadcast_in_dim3A : i32 to vector<16xi32>
    %mul3A_23 = vector.broadcast %arg1 : i32 to vector<16xi32>
    %mul3A_24 = arith.muli %broadcast_in_dim3A_22, %mul3A_23 : vector<16xi32>
    %get3A = arith.constant 0 : i32
    %get3A_25 = arith.index_cast %get3A : i32 to index
    %get3A_26 = arith.constant 0 : index
    %get3A_27 = tpu.vector_load %arg11[%get3A_25, %get3A_26] {strides = array<i32>} : memref<4x128xi32, #tpu.memory_space<vmem>>, vector<1x16xi32>,
    %get3A_28 = vector.shape_cast %get3A_27 : vector<1x16xi32> to vector<16xi32>
    %add3A_29 = arith.addi %get3A_28, %mul3A_24 : vector<16xi32>
    %swap3A = arith.constant 0 : i32
    %swap3A_30 = arith.index_cast %swap3A : i32 to index
    %swap3A_31 = arith.constant 0 : index
    %swap3A_32 = tpu.vector_load %arg11[%swap3A_30, %swap3A_31] {strides = array<i32>} : memref<4x128xi32, #tpu.memory_space<vmem>>, vector<1x16xi32>,
    %swap3A_33 = vector.shape_cast %swap3A_32 : vector<1x16xi32> to vector<16xi32>
    %swap3A_34 = vector.shape_cast %add3A_29 : vector<16xi32> to vector<1x16xi32>
    tpu.vector_store %arg11[%swap3A_30, %swap3A_31], %swap3A_34 {strides = array<i32>} : memref<4x128xi32, #tpu.memory_space<vmem>>, vector<1x16xi32>,
    %get3A_35 = arith.constant 0 : i32
    %get3A_36 = arith.index_cast %get3A_35 : i32 to index
    %get3A_37 = arith.constant 16 : index
    %get3A_38 = tpu.vector_load %arg11[%get3A_36, %get3A_37] {strides = array<i32>} : memref<4x128xi32, #tpu.memory_space<vmem>>, vector<1x16xi32>,
    %get3A_39 = vector.shape_cast %get3A_38 : vector<1x16xi32> to vector<16xi32>
    %add3A_40 = arith.addi %get3A_39, %mul3A_24 : vector<16xi32>
    %swap3A_41 = arith.constant 0 : i32
    %swap3A_42 = arith.index_cast %swap3A_41 : i32 to index
    %swap3A_43 = arith.constant 16 : index
    %swap3A_44 = tpu.vector_load %arg11[%swap3A_42, %swap3A_43] {strides = array<i32>} : memref<4x128xi32, #tpu.memory_space<vmem>>, vector<1x16xi32>,
    %swap3A_45 = vector.shape_cast %swap3A_44 : vector<1x16xi32> to vector<16xi32>
    %swap3A_46 = vector.shape_cast %add3A_40 : vector<16xi32> to vector<1x16xi32>
    tpu.vector_store %arg11[%swap3A_42, %swap3A_43], %swap3A_46 {strides = array<i32>} : memref<4x128xi32, #tpu.memory_space<vmem>>, vector<1x16xi32>,
    %get3A_47 = arith.constant 0 : i32
    %get3A_48 = arith.index_cast %get3A_47 : i32 to index
    %get3A_49 = arith.constant 32 : index
    %get3A_50 = tpu.vector_load %arg11[%get3A_48, %get3A_49] {strides = array<i32>} : memref<4x128xi32, #tpu.memory_space<vmem>>, vector<1x16xi32>,
    %get3A_51 = vector.shape_cast %get3A_50 : vector<1x16xi32> to vector<16xi32>
    %add3A_52 = arith.addi %get3A_51, %mul3A_24 : vector<16xi32>
    %swap3A_53 = arith.constant 0 : i32
    %swap3A_54 = arith.index_cast %swap3A_53 : i32 to index
    %swap3A_55 = arith.constant 32 : index
    %swap3A_56 = tpu.vector_load %arg11[%swap3A_54, %swap3A_55] {strides = array<i32>} : memref<4x128xi32, #tpu.memory_space<vmem>>, vector<1x16xi32>,
    %swap3A_57 = vector.shape_cast %swap3A_56 : vector<1x16xi32> to vector<16xi32>
    %swap3A_58 = vector.shape_cast %add3A_52 : vector<16xi32> to vector<1x16xi32>
    tpu.vector_store %arg11[%swap3A_54, %swap3A_55], %swap3A_58 {strides = array<i32>} : memref<4x128xi32, #tpu.memory_space<vmem>>, vector<1x16xi32>,
    %get3A_59 = arith.constant 0 : i32
    %get3A_60 = arith.index_cast %get3A_59 : i32 to index
    %get3A_61 = arith.constant 48 : index
    %get3A_62 = tpu.vector_load %arg11[%get3A_60, %get3A_61] {strides = array<i32>} : memref<4x128xi32, #tpu.memory_space<vmem>>, vector<1x16xi32>,
    %get3A_63 = vector.shape_cast %get3A_62 : vector<1x16xi32> to vector<16xi32>
    %add3A_64 = arith.addi %get3A_63, %mul3A_24 : vector<16xi32>
    %swap3A_65 = arith.constant 0 : i32
    %swap3A_66 = arith.index_cast %swap3A_65 : i32 to index
    %swap3A_67 = arith.constant 48 : index
    %swap3A_68 = tpu.vector_load %arg11[%swap3A_66, %swap3A_67] {strides = array<i32>} : memref<4x128xi32, #tpu.memory_space<vmem>>, vector<1x16xi32>,
    %swap3A_69 = vector.shape_cast %swap3A_68 : vector<1x16xi32> to vector<16xi32>
    %swap3A_70 = vector.shape_cast %add3A_64 : vector<16xi32> to vector<1x16xi32>
    tpu.vector_store %arg11[%swap3A_66, %swap3A_67], %swap3A_70 {strides = array<i32>} : memref<4x128xi32, #tpu.memory_space<vmem>>, vector<1x16xi32>,
    %get3A_71 = arith.constant 0 : i32
    %get3A_72 = arith.index_cast %get3A_71 : i32 to index
    %get3A_73 = arith.constant 64 : index
    %get3A_74 = tpu.vector_load %arg11[%get3A_72, %get3A_73] {strides = array<i32>} : memref<4x128xi32, #tpu.memory_space<vmem>>, vector<1x16xi32>,
    %get3A_75 = vector.shape_cast %get3A_74 : vector<1x16xi32> to vector<16xi32>
    %add3A_76 = arith.addi %get3A_75, %mul3A_24 : vector<16xi32>
    %swap3A_77 = arith.constant 0 : i32
    %swap3A_78 = arith.index_cast %swap3A_77 : i32 to index
    %swap3A_79 = arith.constant 64 : index
    %swap3A_80 = tpu.vector_load %arg11[%swap3A_78, %swap3A_79] {strides = array<i32>} : memref<4x128xi32, #tpu.memory_space<vmem>>, vector<1x16xi32>,
    %swap3A_81 = vector.shape_cast %swap3A_80 : vector<1x16xi32> to vector<16xi32>
    %swap3A_82 = vector.shape_cast %add3A_76 : vector<16xi32> to vector<1x16xi32>
    tpu.vector_store %arg11[%swap3A_78, %swap3A_79], %swap3A_82 {strides = array<i32>} : memref<4x128xi32, #tpu.memory_space<vmem>>, vector<1x16xi32>,
    %get3A_83 = arith.constant 0 : i32
    %get3A_84 = arith.index_cast %get3A_83 : i32 to index
    %get3A_85 = arith.constant 80 : index
    %get3A_86 = tpu.vector_load %arg11[%get3A_84, %get3A_85] {strides = array<i32>} : memref<4x128xi32, #tpu.memory_space<vmem>>, vector<1x16xi32>,
    %get3A_87 = vector.shape_cast %get3A_86 : vector<1x16xi32> to vector<16xi32>
    %add3A_88 = arith.addi %get3A_87, %mul3A_24 : vector<16xi32>
    %swap3A_89 = arith.constant 0 : i32
    %swap3A_90 = arith.index_cast %swap3A_89 : i32 to index
    %swap3A_91 = arith.constant 80 : index
    %swap3A_92 = tpu.vector_load %arg11[%swap3A_90, %swap3A_91] {strides = array<i32>} : memref<4x128xi32, #tpu.memory_space<vmem>>, vector<1x16xi32>,
    %swap3A_93 = vector.shape_cast %swap3A_92 : vector<1x16xi32> to vector<16xi32>
    %swap3A_94 = vector.shape_cast %add3A_88 : vector<16xi32> to vector<1x16xi32>
    tpu.vector_store %arg11[%swap3A_90, %swap3A_91], %swap3A_94 {strides = array<i32>} : memref<4x128xi32, #tpu.memory_space<vmem>>, vector<1x16xi32>,
    %get3A_95 = arith.constant 0 : i32
    %get3A_96 = arith.index_cast %get3A_95 : i32 to index
    %get3A_97 = arith.constant 96 : index
    %get3A_98 = tpu.vector_load %arg11[%get3A_96, %get3A_97] {strides = array<i32>} : memref<4x128xi32, #tpu.memory_space<vmem>>, vector<1x16xi32>,
    %get3A_99 = vector.shape_cast %get3A_98 : vector<1x16xi32> to vector<16xi32>
    %add3A_100 = arith.addi %get3A_99, %mul3A_24 : vector<16xi32>
    %swap3A_101 = arith.constant 0 : i32
    %swap3A_102 = arith.index_cast %swap3A_101 : i32 to index
    %swap3A_103 = arith.constant 96 : index
    %swap3A_104 = tpu.vector_load %arg11[%swap3A_102, %swap3A_103] {strides = array<i32>} : memref<4x128xi32, #tpu.memory_space<vmem>>, vector<1x16xi32>,
    %swap3A_105 = vector.shape_cast %swap3A_104 : vector<1x16xi32> to vector<16xi32>
    %swap3A_106 = vector.shape_cast %add3A_100 : vector<16xi32> to vector<1x16xi32>
    tpu.vector_store %arg11[%swap3A_102, %swap3A_103], %swap3A_106 {strides = array<i32>} : memref<4x128xi32, #tpu.memory_space<vmem>>, vector<1x16xi32>,
    %get3A_107 = arith.constant 0 : i32
    %get3A_108 = arith.index_cast %get3A_107 : i32 to index
    %get3A_109 = arith.constant 112 : index
    %get3A_110 = tpu.vector_load %arg11[%get3A_108, %get3A_109] {strides = array<i32>} : memref<4x128xi32, #tpu.memory_space<vmem>>, vector<1x16xi32>,
    %get3A_111 = vector.shape_cast %get3A_110 : vector<1x16xi32> to vector<16xi32>
    %add3A_112 = arith.addi %get3A_111, %mul3A_24 : vector<16xi32>
    %swap3A_113 = arith.constant 0 : i32
    %swap3A_114 = arith.index_cast %swap3A_113 : i32 to index
    %swap3A_115 = arith.constant 112 : index
    %swap3A_116 = tpu.vector_load %arg11[%swap3A_114, %swap3A_115] {strides = array<i32>} : memref<4x128xi32, #tpu.memory_space<vmem>>, vector<1x16xi32>,
    %swap3A_117 = vector.shape_cast %swap3A_116 : vector<1x16xi32> to vector<16xi32>
    %swap3A_118 = vector.shape_cast %add3A_112 : vector<16xi32> to vector<1x16xi32>
    tpu.vector_store %arg11[%swap3A_114, %swap3A_115], %swap3A_118 {strides = array<i32>} : memref<4x128xi32, #tpu.memory_space<vmem>>, vector<1x16xi32>,
    %get3A_119 = arith.constant 1 : i32
    %get3A_120 = arith.index_cast %get3A_119 : i32 to index
    %get3A_121 = arith.constant 0 : index
    %get3A_122 = tpu.vector_load %arg11[%get3A_120, %get3A_121] {strides = array<i32>} : memref<4x128xi32, #tpu.memory_space<vmem>>, vector<1x16xi32>,
    %get3A_123 = vector.shape_cast %get3A_122 : vector<1x16xi32> to vector<16xi32>
    %add3A_124 = arith.addi %get3A_123, %mul3A_24 : vector<16xi32>
    %swap3A_125 = arith.constant 1 : i32
    %swap3A_126 = arith.index_cast %swap3A_125 : i32 to index
    %swap3A_127 = arith.constant 0 : index
    %swap3A_128 = tpu.vector_load %arg11[%swap3A_126, %swap3A_127] {strides = array<i32>} : memref<4x128xi32, #tpu.memory_space<vmem>>, vector<1x16xi32>,
    %swap3A_129 = vector.shape_cast %swap3A_128 : vector<1x16xi32> to vector<16xi32>
    %swap3A_130 = vector.shape_cast %add3A_124 : vector<16xi32> to vector<1x16xi32>
    tpu.vector_store %arg11[%swap3A_126, %swap3A_127], %swap3A_130 {strides = array<i32>} : memref<4x128xi32, #tpu.memory_space<vmem>>, vector<1x16xi32>,
    %get3A_131 = arith.constant 1 : i32
    %get3A_132 = arith.index_cast %get3A_131 : i32 to index
    %get3A_133 = arith.constant 16 : index
    %get3A_134 = tpu.vector_load %arg11[%get3A_132, %get3A_133] {strides = array<i32>} : memref<4x128xi32, #tpu.memory_space<vmem>>, vector<1x16xi32>,
    %get3A_135 = vector.shape_cast %get3A_134 : vector<1x16xi32> to vector<16xi32>
    %add3A_136 = arith.addi %get3A_135, %mul3A_24 : vector<16xi32>
    %swap3A_137 = arith.constant 1 : i32
    %swap3A_138 = arith.index_cast %swap3A_137 : i32 to index
    %swap3A_139 = arith.constant 16 : index
    %swap3A_140 = tpu.vector_load %arg11[%swap3A_138, %swap3A_139] {strides = array<i32>} : memref<4x128xi32, #tpu.memory_space<vmem>>, vector<1x16xi32>,
    %swap3A_141 = vector.shape_cast %swap3A_140 : vector<1x16xi32> to vector<16xi32>
    %swap3A_142 = vector.shape_cast %add3A_136 : vector<16xi32> to vector<1x16xi32>
    tpu.vector_store %arg11[%swap3A_138, %swap3A_139], %swap3A_142 {strides = array<i32>} : memref<4x128xi32, #tpu.memory_space<vmem>>, vector<1x16xi32>,
    %get3A_143 = arith.constant 1 : i32
    %get3A_144 = arith.index_cast %get3A_143 : i32 to index
    %get3A_145 = arith.constant 32 : index
    %get3A_146 = tpu.vector_load %arg11[%get3A_144, %get3A_145] {strides = array<i32>} : memref<4x128xi32, #tpu.memory_space<vmem>>, vector<1x16xi32>,
    %get3A_147 = vector.shape_cast %get3A_146 : vector<1x16xi32> to vector<16xi32>
    %add3A_148 = arith.addi %get3A_147, %mul3A_24 : vector<16xi32>
    %swap3A_149 = arith.constant 1 : i32
    %swap3A_150 = arith.index_cast %swap3A_149 : i32 to index
    %swap3A_151 = arith.constant 32 : index
    %swap3A_152 = tpu.vector_load %arg11[%swap3A_150, %swap3A_151] {strides = array<i32>} : memref<4x128xi32, #tpu.memory_space<vmem>>, vector<1x16xi32>,
    %swap3A_153 = vector.shape_cast %swap3A_152 : vector<1x16xi32> to vector<16xi32>
    %swap3A_154 = vector.shape_cast %add3A_148 : vector<16xi32> to vector<1x16xi32>
    tpu.vector_store %arg11[%swap3A_150, %swap3A_151], %swap3A_154 {strides = array<i32>} : memref<4x128xi32, #tpu.memory_space<vmem>>, vector<1x16xi32>,
    %get3A_155 = arith.constant 1 : i32
    %get3A_156 = arith.index_cast %get3A_155 : i32 to index
    %get3A_157 = arith.constant 48 : index
    %get3A_158 = tpu.vector_load %arg11[%get3A_156, %get3A_157] {strides = array<i32>} : memref<4x128xi32, #tpu.memory_space<vmem>>, vector<1x16xi32>,
    %get3A_159 = vector.shape_cast %get3A_158 : vector<1x16xi32> to vector<16xi32>
    %add3A_160 = arith.addi %get3A_159, %mul3A_24 : vector<16xi32>
    %swap3A_161 = arith.constant 1 : i32
    %swap3A_162 = arith.index_cast %swap3A_161 : i32 to index
    %swap3A_163 = arith.constant 48 : index
    %swap3A_164 = tpu.vector_load %arg11[%swap3A_162, %swap3A_163] {strides = array<i32>} : memref<4x128xi32, #tpu.memory_space<vmem>>, vector<1x16xi32>,
    %swap3A_165 = vector.shape_cast %swap3A_164 : vector<1x16xi32> to vector<16xi32>
    %swap3A_166 = vector.shape_cast %add3A_160 : vector<16xi32> to vector<1x16xi32>
    tpu.vector_store %arg11[%swap3A_162, %swap3A_163], %swap3A_166 {strides = array<i32>} : memref<4x128xi32, #tpu.memory_space<vmem>>, vector<1x16xi32>,
    %get3A_167 = arith.constant 1 : i32
    %get3A_168 = arith.index_cast %get3A_167 : i32 to index
    %get3A_169 = arith.constant 64 : index
    %get3A_170 = tpu.vector_load %arg11[%get3A_168, %get3A_169] {strides = array<i32>} : memref<4x128xi32, #tpu.memory_space<vmem>>, vector<1x16xi32>,
    %get3A_171 = vector.shape_cast %get3A_170 : vector<1x16xi32> to vector<16xi32>
    %add3A_172 = arith.addi %get3A_171, %mul3A_24 : vector<16xi32>
    %swap3A_173 = arith.constant 1 : i32
    %swap3A_174 = arith.index_cast %swap3A_173 : i32 to index
    %swap3A_175 = arith.constant 64 : index
    %swap3A_176 = tpu.vector_load %arg11[%swap3A_174, %swap3A_175] {strides = array<i32>} : memref<4x128xi32, #tpu.memory_space<vmem>>, vector<1x16xi32>,
    %swap3A_177 = vector.shape_cast %swap3A_176 : vector<1x16xi32> to vector<16xi32>
    %swap3A_178 = vector.shape_cast %add3A_172 : vector<16xi32> to vector<1x16xi32>
    tpu.vector_store %arg11[%swap3A_174, %swap3A_175], %swap3A_178 {strides = array<i32>} : memref<4x128xi32, #tpu.memory_space<vmem>>, vector<1x16xi32>,
    %get3A_179 = arith.constant 1 : i32
    %get3A_180 = arith.index_cast %get3A_179 : i32 to index
    %get3A_181 = arith.constant 80 : index
    %get3A_182 = tpu.vector_load %arg11[%get3A_180, %get3A_181] {strides = array<i32>} : memref<4x128xi32, #tpu.memory_space<vmem>>, vector<1x16xi32>,
    %get3A_183 = vector.shape_cast %get3A_182 : vector<1x16xi32> to vector<16xi32>
    %add3A_184 = arith.addi %get3A_183, %mul3A_24 : vector<16xi32>
    %swap3A_185 = arith.constant 1 : i32
    %swap3A_186 = arith.index_cast %swap3A_185 : i32 to index
    %swap3A_187 = arith.constant 80 : index
    %swap3A_188 = tpu.vector_load %arg11[%swap3A_186, %swap3A_187] {strides = array<i32>} : memref<4x128xi32, #tpu.memory_space<vmem>>, vector<1x16xi32>,
    %swap3A_189 = vector.shape_cast %swap3A_188 : vector<1x16xi32> to vector<16xi32>
    %swap3A_190 = vector.shape_cast %add3A_184 : vector<16xi32> to vector<1x16xi32>
    tpu.vector_store %arg11[%swap3A_186, %swap3A_187], %swap3A_190 {strides = array<i32>} : memref<4x128xi32, #tpu.memory_space<vmem>>, vector<1x16xi32>,
    %get3A_191 = arith.constant 1 : i32
    %get3A_192 = arith.index_cast %get3A_191 : i32 to index
    %get3A_193 = arith.constant 96 : index
    %get3A_194 = tpu.vector_load %arg11[%get3A_192, %get3A_193] {strides = array<i32>} : memref<4x128xi32, #tpu.memory_space<vmem>>, vector<1x16xi32>,
    %get3A_195 = vector.shape_cast %get3A_194 : vector<1x16xi32> to vector<16xi32>
    %add3A_196 = arith.addi %get3A_195, %mul3A_24 : vector<16xi32>
    %swap3A_197 = arith.constant 1 : i32
    %swap3A_198 = arith.index_cast %swap3A_197 : i32 to index
    %swap3A_199 = arith.constant 96 : index
    %swap3A_200 = tpu.vector_load %arg11[%swap3A_198, %swap3A_199] {strides = array<i32>} : memref<4x128xi32, #tpu.memory_space<vmem>>, vector<1x16xi32>,
    %swap3A_201 = vector.shape_cast %swap3A_200 : vector<1x16xi32> to vector<16xi32>
    %swap3A_202 = vector.shape_cast %add3A_196 : vector<16xi32> to vector<1x16xi32>
    tpu.vector_store %arg11[%swap3A_198, %swap3A_199], %swap3A_202 {strides = array<i32>} : memref<4x128xi32, #tpu.memory_space<vmem>>, vector<1x16xi32>,
    %get3A_203 = arith.constant 1 : i32
    %get3A_204 = arith.index_cast %get3A_203 : i32 to index
    %get3A_205 = arith.constant 112 : index
    %get3A_206 = tpu.vector_load %arg11[%get3A_204, %get3A_205] {strides = array<i32>} : memref<4x128xi32, #tpu.memory_space<vmem>>, vector<1x16xi32>,
    %get3A_207 = vector.shape_cast %get3A_206 : vector<1x16xi32> to vector<16xi32>
    %add3A_208 = arith.addi %get3A_207, %mul3A_24 : vector<16xi32>
    %swap3A_209 = arith.constant 1 : i32
    %swap3A_210 = arith.index_cast %swap3A_209 : i32 to index
    %swap3A_211 = arith.constant 112 : index
    %swap3A_212 = tpu.vector_load %arg11[%swap3A_210, %swap3A_211] {strides = array<i32>} : memref<4x128xi32, #tpu.memory_space<vmem>>, vector<1x16xi32>,
    %swap3A_213 = vector.shape_cast %swap3A_212 : vector<1x16xi32> to vector<16xi32>
    %swap3A_214 = vector.shape_cast %add3A_208 : vector<16xi32> to vector<1x16xi32>
    tpu.vector_store %arg11[%swap3A_210, %swap3A_211], %swap3A_214 {strides = array<i32>} : memref<4x128xi32, #tpu.memory_space<vmem>>, vector<1x16xi32>,
    %get3A_215 = arith.constant 2 : i32
    %get3A_216 = arith.index_cast %get3A_215 : i32 to index
    %get3A_217 = arith.constant 0 : index
    %get3A_218 = tpu.vector_load %arg11[%get3A_216, %get3A_217] {strides = array<i32>} : memref<4x128xi32, #tpu.memory_space<vmem>>, vector<1x16xi32>,
    %get3A_219 = vector.shape_cast %get3A_218 : vector<1x16xi32> to vector<16xi32>
    %add3A_220 = arith.addi %get3A_219, %mul3A_24 : vector<16xi32>
    %swap3A_221 = arith.constant 2 : i32
    %swap3A_222 = arith.index_cast %swap3A_221 : i32 to index
    %swap3A_223 = arith.constant 0 : index
    %swap3A_224 = tpu.vector_load %arg11[%swap3A_222, %swap3A_223] {strides = array<i32>} : memref<4x128xi32, #tpu.memory_space<vmem>>, vector<1x16xi32>,
    %swap3A_225 = vector.shape_cast %swap3A_224 : vector<1x16xi32> to vector<16xi32>
    %swap3A_226 = vector.shape_cast %add3A_220 : vector<16xi32> to vector<1x16xi32>
    tpu.vector_store %arg11[%swap3A_222, %swap3A_223], %swap3A_226 {strides = array<i32>} : memref<4x128xi32, #tpu.memory_space<vmem>>, vector<1x16xi32>,
    %get3A_227 = arith.constant 2 : i32
    %get3A_228 = arith.index_cast %get3A_227 : i32 to index
    %get3A_229 = arith.constant 16 : index
    %get3A_230 = tpu.vector_load %arg11[%get3A_228, %get3A_229] {strides = array<i32>} : memref<4x128xi32, #tpu.memory_space<vmem>>, vector<1x16xi32>,
    %get3A_231 = vector.shape_cast %get3A_230 : vector<1x16xi32> to vector<16xi32>
    %add3A_232 = arith.addi %get3A_231, %mul3A_24 : vector<16xi32>
    %swap3A_233 = arith.constant 2 : i32
    %swap3A_234 = arith.index_cast %swap3A_233 : i32 to index
    %swap3A_235 = arith.constant 16 : index
    %swap3A_236 = tpu.vector_load %arg11[%swap3A_234, %swap3A_235] {strides = array<i32>} : memref<4x128xi32, #tpu.memory_space<vmem>>, vector<1x16xi32>,
    %swap3A_237 = vector.shape_cast %swap3A_236 : vector<1x16xi32> to vector<16xi32>
    %swap3A_238 = vector.shape_cast %add3A_232 : vector<16xi32> to vector<1x16xi32>
    tpu.vector_store %arg11[%swap3A_234, %swap3A_235], %swap3A_238 {strides = array<i32>} : memref<4x128xi32, #tpu.memory_space<vmem>>, vector<1x16xi32>,
    %get3A_239 = arith.constant 2 : i32
    %get3A_240 = arith.index_cast %get3A_239 : i32 to index
    %get3A_241 = arith.constant 32 : index
    %get3A_242 = tpu.vector_load %arg11[%get3A_240, %get3A_241] {strides = array<i32>} : memref<4x128xi32, #tpu.memory_space<vmem>>, vector<1x16xi32>,
    %get3A_243 = vector.shape_cast %get3A_242 : vector<1x16xi32> to vector<16xi32>
    %add3A_244 = arith.addi %get3A_243, %mul3A_24 : vector<16xi32>
    %swap3A_245 = arith.constant 2 : i32
    %swap3A_246 = arith.index_cast %swap3A_245 : i32 to index
    %swap3A_247 = arith.constant 32 : index
    %swap3A_248 = tpu.vector_load %arg11[%swap3A_246, %swap3A_247] {strides = array<i32>} : memref<4x128xi32, #tpu.memory_space<vmem>>, vector<1x16xi32>,
    %swap3A_249 = vector.shape_cast %swap3A_248 : vector<1x16xi32> to vector<16xi32>
    %swap3A_250 = vector.shape_cast %add3A_244 : vector<16xi32> to vector<1x16xi32>
    tpu.vector_store %arg11[%swap3A_246, %swap3A_247], %swap3A_250 {strides = array<i32>} : memref<4x128xi32, #tpu.memory_space<vmem>>, vector<1x16xi32>,
    %get3A_251 = arith.constant 2 : i32
    %get3A_252 = arith.index_cast %get3A_251 : i32 to index
    %get3A_253 = arith.constant 48 : index
    %get3A_254 = tpu.vector_load %arg11[%get3A_252, %get3A_253] {strides = array<i32>} : memref<4x128xi32, #tpu.memory_space<vmem>>, vector<1x16xi32>,
    %get3A_255 = vector.shape_cast %get3A_254 : vector<1x16xi32> to vector<16xi32>
    %add3A_256 = arith.addi %get3A_255, %mul3A_24 : vector<16xi32>
    %swap3A_257 = arith.constant 2 : i32
    %swap3A_258 = arith.index_cast %swap3A_257 : i32 to index
    %swap3A_259 = arith.constant 48 : index
    %swap3A_260 = tpu.vector_load %arg11[%swap3A_258, %swap3A_259] {strides = array<i32>} : memref<4x128xi32, #tpu.memory_space<vmem>>, vector<1x16xi32>,
    %swap3A_261 = vector.shape_cast %swap3A_260 : vector<1x16xi32> to vector<16xi32>
    %swap3A_262 = vector.shape_cast %add3A_256 : vector<16xi32> to vector<1x16xi32>
    tpu.vector_store %arg11[%swap3A_258, %swap3A_259], %swap3A_262 {strides = array<i32>} : memref<4x128xi32, #tpu.memory_space<vmem>>, vector<1x16xi32>,
    %get3A_263 = arith.constant 2 : i32
    %get3A_264 = arith.index_cast %get3A_263 : i32 to index
    %get3A_265 = arith.constant 64 : index
    %get3A_266 = tpu.vector_load %arg11[%get3A_264, %get3A_265] {strides = array<i32>} : memref<4x128xi32, #tpu.memory_space<vmem>>, vector<1x16xi32>,
    %get3A_267 = vector.shape_cast %get3A_266 : vector<1x16xi32> to vector<16xi32>
    %add3A_268 = arith.addi %get3A_267, %mul3A_24 : vector<16xi32>
    %swap3A_269 = arith.constant 2 : i32
    %swap3A_270 = arith.index_cast %swap3A_269 : i32 to index
    %swap3A_271 = arith.constant 64 : index
    %swap3A_272 = tpu.vector_load %arg11[%swap3A_270, %swap3A_271] {strides = array<i32>} : memref<4x128xi32, #tpu.memory_space<vmem>>, vector<1x16xi32>,
    %swap3A_273 = vector.shape_cast %swap3A_272 : vector<1x16xi32> to vector<16xi32>
    %swap3A_274 = vector.shape_cast %add3A_268 : vector<16xi32> to vector<1x16xi32>
    tpu.vector_store %arg11[%swap3A_270, %swap3A_271], %swap3A_274 {strides = array<i32>} : memref<4x128xi32, #tpu.memory_space<vmem>>, vector<1x16xi32>,
    %get3A_275 = arith.constant 2 : i32
    %get3A_276 = arith.index_cast %get3A_275 : i32 to index
    %get3A_277 = arith.constant 80 : index
    %get3A_278 = tpu.vector_load %arg11[%get3A_276, %get3A_277] {strides = array<i32>} : memref<4x128xi32, #tpu.memory_space<vmem>>, vector<1x16xi32>,
    %get3A_279 = vector.shape_cast %get3A_278 : vector<1x16xi32> to vector<16xi32>
    %add3A_280 = arith.addi %get3A_279, %mul3A_24 : vector<16xi32>
    %swap3A_281 = arith.constant 2 : i32
    %swap3A_282 = arith.index_cast %swap3A_281 : i32 to index
    %swap3A_283 = arith.constant 80 : index
    %swap3A_284 = tpu.vector_load %arg11[%swap3A_282, %swap3A_283] {strides = array<i32>} : memref<4x128xi32, #tpu.memory_space<vmem>>, vector<1x16xi32>,
    %swap3A_285 = vector.shape_cast %swap3A_284 : vector<1x16xi32> to vector<16xi32>
    %swap3A_286 = vector.shape_cast %add3A_280 : vector<16xi32> to vector<1x16xi32>
    tpu.vector_store %arg11[%swap3A_282, %swap3A_283], %swap3A_286 {strides = array<i32>} : memref<4x128xi32, #tpu.memory_space<vmem>>, vector<1x16xi32>,
    %get3A_287 = arith.constant 2 : i32
    %get3A_288 = arith.index_cast %get3A_287 : i32 to index
    %get3A_289 = arith.constant 96 : index
    %get3A_290 = tpu.vector_load %arg11[%get3A_288, %get3A_289] {strides = array<i32>} : memref<4x128xi32, #tpu.memory_space<vmem>>, vector<1x16xi32>,
    %get3A_291 = vector.shape_cast %get3A_290 : vector<1x16xi32> to vector<16xi32>
    %add3A_292 = arith.addi %get3A_291, %mul3A_24 : vector<16xi32>
    %swap3A_293 = arith.constant 2 : i32
    %swap3A_294 = arith.index_cast %swap3A_293 : i32 to index
    %swap3A_295 = arith.constant 96 : index
    %swap3A_296 = tpu.vector_load %arg11[%swap3A_294, %swap3A_295] {strides = array<i32>} : memref<4x128xi32, #tpu.memory_space<vmem>>, vector<1x16xi32>,
    %swap3A_297 = vector.shape_cast %swap3A_296 : vector<1x16xi32> to vector<16xi32>
    %swap3A_298 = vector.shape_cast %add3A_292 : vector<16xi32> to vector<1x16xi32>
    tpu.vector_store %arg11[%swap3A_294, %swap3A_295], %swap3A_298 {strides = array<i32>} : memref<4x128xi32, #tpu.memory_space<vmem>>, vector<1x16xi32>,
    %get3A_299 = arith.constant 2 : i32
    %get3A_300 = arith.index_cast %get3A_299 : i32 to index
    %get3A_301 = arith.constant 112 : index
    %get3A_302 = tpu.vector_load %arg11[%get3A_300, %get3A_301] {strides = array<i32>} : memref<4x128xi32, #tpu.memory_space<vmem>>, vector<1x16xi32>,
    %get3A_303 = vector.shape_cast %get3A_302 : vector<1x16xi32> to vector<16xi32>
    %add3A_304 = arith.addi %get3A_303, %mul3A_24 : vector<16xi32>
    %swap3A_305 = arith.constant 2 : i32
    %swap3A_306 = arith.index_cast %swap3A_305 : i32 to index
    %swap3A_307 = arith.constant 112 : index
    %swap3A_308 = tpu.vector_load %arg11[%swap3A_306, %swap3A_307] {strides = array<i32>} : memref<4x128xi32, #tpu.memory_space<vmem>>, vector<1x16xi32>,
    %swap3A_309 = vector.shape_cast %swap3A_308 : vector<1x16xi32> to vector<16xi32>
    %swap3A_310 = vector.shape_cast %add3A_304 : vector<16xi32> to vector<1x16xi32>
    tpu.vector_store %arg11[%swap3A_306, %swap3A_307], %swap3A_310 {strides = array<i32>} : memref<4x128xi32, #tpu.memory_space<vmem>>, vector<1x16xi32>,
    %get3A_311 = arith.constant 3 : i32
    %get3A_312 = arith.index_cast %get3A_311 : i32 to index
    %get3A_313 = arith.constant 0 : index
    %get3A_314 = tpu.vector_load %arg11[%get3A_312, %get3A_313] {strides = array<i32>} : memref<4x128xi32, #tpu.memory_space<vmem>>, vector<1x16xi32>,
    %get3A_315 = vector.shape_cast %get3A_314 : vector<1x16xi32> to vector<16xi32>
    %add3A_316 = arith.addi %get3A_315, %mul3A_24 : vector<16xi32>
    %swap3A_317 = arith.constant 3 : i32
    %swap3A_318 = arith.index_cast %swap3A_317 : i32 to index
    %swap3A_319 = arith.constant 0 : index
    %swap3A_320 = tpu.vector_load %arg11[%swap3A_318, %swap3A_319] {strides = array<i32>} : memref<4x128xi32, #tpu.memory_space<vmem>>, vector<1x16xi32>,
    %swap3A_321 = vector.shape_cast %swap3A_320 : vector<1x16xi32> to vector<16xi32>
    %swap3A_322 = vector.shape_cast %add3A_316 : vector<16xi32> to vector<1x16xi32>
    tpu.vector_store %arg11[%swap3A_318, %swap3A_319], %swap3A_322 {strides = array<i32>} : memref<4x128xi32, #tpu.memory_space<vmem>>, vector<1x16xi32>,
    %get3A_323 = arith.constant 3 : i32
    %get3A_324 = arith.index_cast %get3A_323 : i32 to index
    %get3A_325 = arith.constant 16 : index
    %get3A_326 = tpu.vector_load %arg11[%get3A_324, %get3A_325] {strides = array<i32>} : memref<4x128xi32, #tpu.memory_space<vmem>>, vector<1x16xi32>,
    %get3A_327 = vector.shape_cast %get3A_326 : vector<1x16xi32> to vector<16xi32>
    %add3A_328 = arith.addi %get3A_327, %mul3A_24 : vector<16xi32>
    %swap3A_329 = arith.constant 3 : i32
    %swap3A_330 = arith.index_cast %swap3A_329 : i32 to index
    %swap3A_331 = arith.constant 16 : index
    %swap3A_332 = tpu.vector_load %arg11[%swap3A_330, %swap3A_331] {strides = array<i32>} : memref<4x128xi32, #tpu.memory_space<vmem>>, vector<1x16xi32>,
    %swap3A_333 = vector.shape_cast %swap3A_332 : vector<1x16xi32> to vector<16xi32>
    %swap3A_334 = vector.shape_cast %add3A_328 : vector<16xi32> to vector<1x16xi32>
    tpu.vector_store %arg11[%swap3A_330, %swap3A_331], %swap3A_334 {strides = array<i32>} : memref<4x128xi32, #tpu.memory_space<vmem>>, vector<1x16xi32>,
    %get3A_335 = arith.constant 3 : i32
    %get3A_336 = arith.index_cast %get3A_335 : i32 to index
    %get3A_337 = arith.constant 32 : index
    %get3A_338 = tpu.vector_load %arg11[%get3A_336, %get3A_337] {strides = array<i32>} : memref<4x128xi32, #tpu.memory_space<vmem>>, vector<1x16xi32>,
    %get3A_339 = vector.shape_cast %get3A_338 : vector<1x16xi32> to vector<16xi32>
    %add3A_340 = arith.addi %get3A_339, %mul3A_24 : vector<16xi32>
    %swap3A_341 = arith.constant 3 : i32
    %swap3A_342 = arith.index_cast %swap3A_341 : i32 to index
    %swap3A_343 = arith.constant 32 : index
    %swap3A_344 = tpu.vector_load %arg11[%swap3A_342, %swap3A_343] {strides = array<i32>} : memref<4x128xi32, #tpu.memory_space<vmem>>, vector<1x16xi32>,
    %swap3A_345 = vector.shape_cast %swap3A_344 : vector<1x16xi32> to vector<16xi32>
    %swap3A_346 = vector.shape_cast %add3A_340 : vector<16xi32> to vector<1x16xi32>
    tpu.vector_store %arg11[%swap3A_342, %swap3A_343], %swap3A_346 {strides = array<i32>} : memref<4x128xi32, #tpu.memory_space<vmem>>, vector<1x16xi32>,
    %get3A_347 = arith.constant 3 : i32
    %get3A_348 = arith.index_cast %get3A_347 : i32 to index
    %get3A_349 = arith.constant 48 : index
    %get3A_350 = tpu.vector_load %arg11[%get3A_348, %get3A_349] {strides = array<i32>} : memref<4x128xi32, #tpu.memory_space<vmem>>, vector<1x16xi32>,
    %get3A_351 = vector.shape_cast %get3A_350 : vector<1x16xi32> to vector<16xi32>
    %add3A_352 = arith.addi %get3A_351, %mul3A_24 : vector<16xi32>
    %swap3A_353 = arith.constant 3 : i32
    %swap3A_354 = arith.index_cast %swap3A_353 : i32 to index
    %swap3A_355 = arith.constant 48 : index
    %swap3A_356 = tpu.vector_load %arg11[%swap3A_354, %swap3A_355] {strides = array<i32>} : memref<4x128xi32, #tpu.memory_space<vmem>>, vector<1x16xi32>,
    %swap3A_357 = vector.shape_cast %swap3A_356 : vector<1x16xi32> to vector<16xi32>
    %swap3A_358 = vector.shape_cast %add3A_352 : vector<16xi32> to vector<1x16xi32>
    tpu.vector_store %arg11[%swap3A_354, %swap3A_355], %swap3A_358 {strides = array<i32>} : memref<4x128xi32, #tpu.memory_space<vmem>>, vector<1x16xi32>,
    %get3A_359 = arith.constant 3 : i32
    %get3A_360 = arith.index_cast %get3A_359 : i32 to index
    %get3A_361 = arith.constant 64 : index
    %get3A_362 = tpu.vector_load %arg11[%get3A_360, %get3A_361] {strides = array<i32>} : memref<4x128xi32, #tpu.memory_space<vmem>>, vector<1x16xi32>,
    %get3A_363 = vector.shape_cast %get3A_362 : vector<1x16xi32> to vector<16xi32>
    %add3A_364 = arith.addi %get3A_363, %mul3A_24 : vector<16xi32>
    %swap3A_365 = arith.constant 3 : i32
    %swap3A_366 = arith.index_cast %swap3A_365 : i32 to index
    %swap3A_367 = arith.constant 64 : index
    %swap3A_368 = tpu.vector_load %arg11[%swap3A_366, %swap3A_367] {strides = array<i32>} : memref<4x128xi32, #tpu.memory_space<vmem>>, vector<1x16xi32>,
    %swap3A_369 = vector.shape_cast %swap3A_368 : vector<1x16xi32> to vector<16xi32>
    %swap3A_370 = vector.shape_cast %add3A_364 : vector<16xi32> to vector<1x16xi32>
    tpu.vector_store %arg11[%swap3A_366, %swap3A_367], %swap3A_370 {strides = array<i32>} : memref<4x128xi32, #tpu.memory_space<vmem>>, vector<1x16xi32>,
    %get3A_371 = arith.constant 3 : i32
    %get3A_372 = arith.index_cast %get3A_371 : i32 to index
    %get3A_373 = arith.constant 80 : index
    %get3A_374 = tpu.vector_load %arg11[%get3A_372, %get3A_373] {strides = array<i32>} : memref<4x128xi32, #tpu.memory_space<vmem>>, vector<1x16xi32>,
    %get3A_375 = vector.shape_cast %get3A_374 : vector<1x16xi32> to vector<16xi32>
    %add3A_376 = arith.addi %get3A_375, %mul3A_24 : vector<16xi32>
    %swap3A_377 = arith.constant 3 : i32
    %swap3A_378 = arith.index_cast %swap3A_377 : i32 to index
    %swap3A_379 = arith.constant 80 : index
    %swap3A_380 = tpu.vector_load %arg11[%swap3A_378, %swap3A_379] {strides = array<i32>} : memref<4x128xi32, #tpu.memory_space<vmem>>, vector<1x16xi32>,
    %swap3A_381 = vector.shape_cast %swap3A_380 : vector<1x16xi32> to vector<16xi32>
    %swap3A_382 = vector.shape_cast %add3A_376 : vector<16xi32> to vector<1x16xi32>
    tpu.vector_store %arg11[%swap3A_378, %swap3A_379], %swap3A_382 {strides = array<i32>} : memref<4x128xi32, #tpu.memory_space<vmem>>, vector<1x16xi32>,
    %get3A_383 = arith.constant 3 : i32
    %get3A_384 = arith.index_cast %get3A_383 : i32 to index
    %get3A_385 = arith.constant 96 : index
    %get3A_386 = tpu.vector_load %arg11[%get3A_384, %get3A_385] {strides = array<i32>} : memref<4x128xi32, #tpu.memory_space<vmem>>, vector<1x16xi32>,
    %get3A_387 = vector.shape_cast %get3A_386 : vector<1x16xi32> to vector<16xi32>
    %add3A_388 = arith.addi %get3A_387, %mul3A_24 : vector<16xi32>
    %swap3A_389 = arith.constant 3 : i32
    %swap3A_390 = arith.index_cast %swap3A_389 : i32 to index
    %swap3A_391 = arith.constant 96 : index
    %swap3A_392 = tpu.vector_load %arg11[%swap3A_390, %swap3A_391] {strides = array<i32>} : memref<4x128xi32, #tpu.memory_space<vmem>>, vector<1x16xi32>,
    %swap3A_393 = vector.shape_cast %swap3A_392 : vector<1x16xi32> to vector<16xi32>
    %swap3A_394 = vector.shape_cast %add3A_388 : vector<16xi32> to vector<1x16xi32>
    tpu.vector_store %arg11[%swap3A_390, %swap3A_391], %swap3A_394 {strides = array<i32>} : memref<4x128xi32, #tpu.memory_space<vmem>>, vector<1x16xi32>,
    %get3A_395 = arith.constant 3 : i32
    %get3A_396 = arith.index_cast %get3A_395 : i32 to index
    %get3A_397 = arith.constant 112 : index
    %get3A_398 = tpu.vector_load %arg11[%get3A_396, %get3A_397] {strides = array<i32>} : memref<4x128xi32, #tpu.memory_space<vmem>>, vector<1x16xi32>,
    %get3A_399 = vector.shape_cast %get3A_398 : vector<1x16xi32> to vector<16xi32>
    %add3A_400 = arith.addi %get3A_399, %mul3A_24 : vector<16xi32>
    %swap3A_401 = arith.constant 3 : i32
    %swap3A_402 = arith.index_cast %swap3A_401 : i32 to index
    %swap3A_403 = arith.constant 112 : index
    %swap3A_404 = tpu.vector_load %arg11[%swap3A_402, %swap3A_403] {strides = array<i32>} : memref<4x128xi32, #tpu.memory_space<vmem>>, vector<1x16xi32>,
    %swap3A_405 = vector.shape_cast %swap3A_404 : vector<1x16xi32> to vector<16xi32>
    %swap3A_406 = vector.shape_cast %add3A_400 : vector<16xi32> to vector<1x16xi32>
    tpu.vector_store %arg11[%swap3A_402, %swap3A_403], %swap3A_406 {strides = array<i32>} : memref<4x128xi32, #tpu.memory_space<vmem>>, vector<1x16xi32>,
    %barrier3A = arith.constant 0 : index
    tpu.barrier barrier_id(%barrier3A)
    %dma_start3A_407 = arith.constant 0 : i32
    %dma_start3A_408 = arith.constant 0 : i32
    %dma_start3A_409 = tpu.memref_slice %arg10[%dma_start3A_407, %dma_start3A_408] : memref<4x128xi32, #tpu.memory_space<vmem>> -> memref<1x128xi32, #tpu.memory_space<vmem>>
    %dma_start3A_410 = tpu.memref_squeeze %dma_start3A_409 : memref<1x128xi32, #tpu.memory_space<vmem>> -> memref<128xi32, #tpu.memory_space<vmem>>
    %dma_start3A_411 = arith.constant 0 : i32
    %dma_start3A_412 = arith.constant 0 : i32
    %dma_start3A_413 = tpu.memref_slice %arg17[%dma_start3A_411, %dma_start3A_412] : memref<4096x128xf32, #tpu.memory_space<vmem_shared>> -> memref<4096x128xf32, #tpu.memory_space<vmem_shared>>
    tpu.enqueue_indirect_dma source(%dma_start3A_413 : memref<4096x128xf32, #tpu.memory_space<vmem_shared>>) target(%arg14 : memref<128x128xf32, #tpu.memory_space<vmem>>) offsets(%dma_start3A_410 : memref<128xi32, #tpu.memory_space<vmem>>) semaphore(%arg21 : memref<!tpu.dma_semaphore, #tpu.memory_space<semaphore_mem>>)
    %dma_start3A_414 = arith.constant 1 : i32
    %dma_start3A_415 = arith.constant 0 : i32
    %dma_start3A_416 = tpu.memref_slice %arg10[%dma_start3A_414, %dma_start3A_415] : memref<4x128xi32, #tpu.memory_space<vmem>> -> memref<1x128xi32, #tpu.memory_space<vmem>>
    %dma_start3A_417 = tpu.memref_squeeze %dma_start3A_416 : memref<1x128xi32, #tpu.memory_space<vmem>> -> memref<128xi32, #tpu.memory_space<vmem>>
    %dma_start3A_418 = arith.constant 0 : i32
    %dma_start3A_419 = arith.constant 0 : i32
    %dma_start3A_420 = tpu.memref_slice %arg17[%dma_start3A_418, %dma_start3A_419] : memref<4096x128xf32, #tpu.memory_space<vmem_shared>> -> memref<4096x128xf32, #tpu.memory_space<vmem_shared>>
    tpu.enqueue_indirect_dma source(%dma_start3A_420 : memref<4096x128xf32, #tpu.memory_space<vmem_shared>>) target(%arg15 : memref<128x128xf32, #tpu.memory_space<vmem>>) offsets(%dma_start3A_417 : memref<128xi32, #tpu.memory_space<vmem>>) semaphore(%arg22 : memref<!tpu.dma_semaphore, #tpu.memory_space<semaphore_mem>>)
    %dma_start3A_421 = arith.constant 0 : i32
    %dma_start3A_422 = arith.constant 0 : i32
    %dma_start3A_423 = tpu.memref_slice %arg11[%dma_start3A_421, %dma_start3A_422] : memref<4x128xi32, #tpu.memory_space<vmem>> -> memref<1x128xi32, #tpu.memory_space<vmem>>
    %dma_start3A_424 = tpu.memref_squeeze %dma_start3A_423 : memref<1x128xi32, #tpu.memory_space<vmem>> -> memref<128xi32, #tpu.memory_space<vmem>>
    %dma_start3A_425 = arith.constant 0 : i32
    %dma_start3A_426 = arith.constant 0 : i32
    %dma_start3A_427 = tpu.memref_slice %arg18[%dma_start3A_425, %dma_start3A_426] : memref<64x128xf32, #tpu.memory_space<vmem_shared>> -> memref<64x128xf32, #tpu.memory_space<vmem_shared>>
    tpu.enqueue_indirect_dma source(%dma_start3A_427 : memref<64x128xf32, #tpu.memory_space<vmem_shared>>) target(%arg16 : memref<128x128xf32, #tpu.memory_space<vmem>>) offsets(%dma_start3A_424 : memref<128xi32, #tpu.memory_space<vmem>>) semaphore(%arg23 : memref<!tpu.dma_semaphore, #tpu.memory_space<semaphore_mem>>)
    %dma_wait3A = arith.constant 0 : i32
    %dma_wait3A_428 = arith.constant 0 : i32
    %dma_wait3A_429 = tpu.memref_slice %arg9[%dma_wait3A, %dma_wait3A_428] : memref<4x128xi32, #tpu.memory_space<vmem>> -> memref<1x128xi32, #tpu.memory_space<vmem>>
    %dma_wait3A_430 = tpu.memref_squeeze %dma_wait3A_429 : memref<1x128xi32, #tpu.memory_space<vmem>> -> memref<128xi32, #tpu.memory_space<vmem>>
    %dma_wait3A_431 = arith.constant 0 : i32
    %dma_wait3A_432 = arith.constant 0 : i32
    %dma_wait3A_433 = tpu.memref_slice %arg5[%dma_wait3A_431, %dma_wait3A_432] : memref<100000x128xf32, #tpu.memory_space<hbm>> -> memref<100000x128xf32, #tpu.memory_space<hbm>>
    tpu.wait_indirect_dma semaphore(%arg19 : memref<!tpu.dma_semaphore, #tpu.memory_space<semaphore_mem>>) src(%dma_wait3A_433 : memref<100000x128xf32, #tpu.memory_space<hbm>>) dst(%arg12 : memref<128x128xf32, #tpu.memory_space<vmem>>)
    %dma_wait3A_434 = arith.constant 0 : i32
    %dma_wait3A_435 = arith.constant 0 : i32
    %dma_wait3A_436 = tpu.memref_slice %arg10[%dma_wait3A_434, %dma_wait3A_435] : memref<4x128xi32, #tpu.memory_space<vmem>> -> memref<1x128xi32, #tpu.memory_space<vmem>>
    %dma_wait3A_437 = tpu.memref_squeeze %dma_wait3A_436 : memref<1x128xi32, #tpu.memory_space<vmem>> -> memref<128xi32, #tpu.memory_space<vmem>>
    %dma_wait3A_438 = arith.constant 0 : i32
    %dma_wait3A_439 = arith.constant 0 : i32
    %dma_wait3A_440 = tpu.memref_slice %arg17[%dma_wait3A_438, %dma_wait3A_439] : memref<4096x128xf32, #tpu.memory_space<vmem_shared>> -> memref<4096x128xf32, #tpu.memory_space<vmem_shared>>
    tpu.wait_indirect_dma semaphore(%arg21 : memref<!tpu.dma_semaphore, #tpu.memory_space<semaphore_mem>>) src(%dma_wait3A_440 : memref<4096x128xf32, #tpu.memory_space<vmem_shared>>) dst(%arg14 : memref<128x128xf32, #tpu.memory_space<vmem>>)
    %dma_wait3A_441 = arith.constant 0 : i32
    %dma_wait3A_442 = arith.constant 0 : i32
    %dma_wait3A_443 = tpu.memref_slice %arg11[%dma_wait3A_441, %dma_wait3A_442] : memref<4x128xi32, #tpu.memory_space<vmem>> -> memref<1x128xi32, #tpu.memory_space<vmem>>
    %dma_wait3A_444 = tpu.memref_squeeze %dma_wait3A_443 : memref<1x128xi32, #tpu.memory_space<vmem>> -> memref<128xi32, #tpu.memory_space<vmem>>
    %dma_wait3A_445 = arith.constant 0 : i32
    %dma_wait3A_446 = arith.constant 0 : i32
    %dma_wait3A_447 = tpu.memref_slice %arg18[%dma_wait3A_445, %dma_wait3A_446] : memref<64x128xf32, #tpu.memory_space<vmem_shared>> -> memref<64x128xf32, #tpu.memory_space<vmem_shared>>
    tpu.wait_indirect_dma semaphore(%arg23 : memref<!tpu.dma_semaphore, #tpu.memory_space<semaphore_mem>>) src(%dma_wait3A_447 : memref<64x128xf32, #tpu.memory_space<vmem_shared>>) dst(%arg16 : memref<128x128xf32, #tpu.memory_space<vmem>>)
    %parallel_loop3A = arith.constant 0 : i32
    %parallel_loop3A_448 = arith.constant 128 : i32
    %parallel_loop3A_449 = arith.constant 1 : i32
    scf.for %parallel_loop3A_611 = %parallel_loop3A to %parallel_loop3A_448 step %parallel_loop3A_449  : i32 {
      %parallel_loop3A_612 = arith.index_cast %parallel_loop3A_611 : i32 to index
      %parallel_loop3A_613 = arith.constant 0 : index
      %parallel_loop3A_614 = tpu.vector_load %arg14[%parallel_loop3A_612, %parallel_loop3A_613] {strides = array<i32>} : memref<128x128xf32, #tpu.memory_space<vmem>>, vector<1x16xf32>,
      %parallel_loop3A_615 = vector.shape_cast %parallel_loop3A_614 : vector<1x16xf32> to vector<16xf32>
      %parallel_loop3A_616 = arith.index_cast %parallel_loop3A_611 : i32 to index
      %parallel_loop3A_617 = arith.constant 0 : index
      %parallel_loop3A_618 = tpu.vector_load %arg16[%parallel_loop3A_616, %parallel_loop3A_617] {strides = array<i32>} : memref<128x128xf32, #tpu.memory_space<vmem>>, vector<1x16xf32>,
      %parallel_loop3A_619 = vector.shape_cast %parallel_loop3A_618 : vector<1x16xf32> to vector<16xf32>
      %parallel_loop3A_620 = arith.addf %parallel_loop3A_615, %parallel_loop3A_619 : vector<16xf32>
      %parallel_loop3A_621 = arith.index_cast %parallel_loop3A_611 : i32 to index
      %parallel_loop3A_622 = arith.constant 0 : index
      %parallel_loop3A_623 = tpu.vector_load %arg12[%parallel_loop3A_621, %parallel_loop3A_622] {strides = array<i32>} : memref<128x128xf32, #tpu.memory_space<vmem>>, vector<1x16xf32>,
      %parallel_loop3A_624 = vector.shape_cast %parallel_loop3A_623 : vector<1x16xf32> to vector<16xf32>
      %parallel_loop3A_625 = vector.shape_cast %parallel_loop3A_620 : vector<16xf32> to vector<1x16xf32>
      tpu.vector_store %arg12[%parallel_loop3A_621, %parallel_loop3A_622], %parallel_loop3A_625 {add = true, strides = array<i32>} : memref<128x128xf32, #tpu.memory_space<vmem>>, vector<1x16xf32>,
      %parallel_loop3A_626 = arith.index_cast %parallel_loop3A_611 : i32 to index
      %parallel_loop3A_627 = arith.constant 16 : index
      %parallel_loop3A_628 = tpu.vector_load %arg14[%parallel_loop3A_626, %parallel_loop3A_627] {strides = array<i32>} : memref<128x128xf32, #tpu.memory_space<vmem>>, vector<1x16xf32>,
      %parallel_loop3A_629 = vector.shape_cast %parallel_loop3A_628 : vector<1x16xf32> to vector<16xf32>
      %parallel_loop3A_630 = arith.index_cast %parallel_loop3A_611 : i32 to index
      %parallel_loop3A_631 = arith.constant 16 : index
      %parallel_loop3A_632 = tpu.vector_load %arg16[%parallel_loop3A_630, %parallel_loop3A_631] {strides = array<i32>} : memref<128x128xf32, #tpu.memory_space<vmem>>, vector<1x16xf32>,
      %parallel_loop3A_633 = vector.shape_cast %parallel_loop3A_632 : vector<1x16xf32> to vector<16xf32>
      %parallel_loop3A_634 = arith.addf %parallel_loop3A_629, %parallel_loop3A_633 : vector<16xf32>
      %parallel_loop3A_635 = arith.index_cast %parallel_loop3A_611 : i32 to index
      %parallel_loop3A_636 = arith.constant 16 : index
      %parallel_loop3A_637 = tpu.vector_load %arg12[%parallel_loop3A_635, %parallel_loop3A_636] {strides = array<i32>} : memref<128x128xf32, #tpu.memory_space<vmem>>, vector<1x16xf32>,
      %parallel_loop3A_638 = vector.shape_cast %parallel_loop3A_637 : vector<1x16xf32> to vector<16xf32>
      %parallel_loop3A_639 = vector.shape_cast %parallel_loop3A_634 : vector<16xf32> to vector<1x16xf32>
      tpu.vector_store %arg12[%parallel_loop3A_635, %parallel_loop3A_636], %parallel_loop3A_639 {add = true, strides = array<i32>} : memref<128x128xf32, #tpu.memory_space<vmem>>, vector<1x16xf32>,
      %parallel_loop3A_640 = arith.index_cast %parallel_loop3A_611 : i32 to index
      %parallel_loop3A_641 = arith.constant 32 : index
      %parallel_loop3A_642 = tpu.vector_load %arg14[%parallel_loop3A_640, %parallel_loop3A_641] {strides = array<i32>} : memref<128x128xf32, #tpu.memory_space<vmem>>, vector<1x16xf32>,
      %parallel_loop3A_643 = vector.shape_cast %parallel_loop3A_642 : vector<1x16xf32> to vector<16xf32>
      %parallel_loop3A_644 = arith.index_cast %parallel_loop3A_611 : i32 to index
      %parallel_loop3A_645 = arith.constant 32 : index
      %parallel_loop3A_646 = tpu.vector_load %arg16[%parallel_loop3A_644, %parallel_loop3A_645] {strides = array<i32>} : memref<128x128xf32, #tpu.memory_space<vmem>>, vector<1x16xf32>,
      %parallel_loop3A_647 = vector.shape_cast %parallel_loop3A_646 : vector<1x16xf32> to vector<16xf32>
      %parallel_loop3A_648 = arith.addf %parallel_loop3A_643, %parallel_loop3A_647 : vector<16xf32>
      %parallel_loop3A_649 = arith.index_cast %parallel_loop3A_611 : i32 to index
      %parallel_loop3A_650 = arith.constant 32 : index
      %parallel_loop3A_651 = tpu.vector_load %arg12[%parallel_loop3A_649, %parallel_loop3A_650] {strides = array<i32>} : memref<128x128xf32, #tpu.memory_space<vmem>>, vector<1x16xf32>,
      %parallel_loop3A_652 = vector.shape_cast %parallel_loop3A_651 : vector<1x16xf32> to vector<16xf32>
      %parallel_loop3A_653 = vector.shape_cast %parallel_loop3A_648 : vector<16xf32> to vector<1x16xf32>
      tpu.vector_store %arg12[%parallel_loop3A_649, %parallel_loop3A_650], %parallel_loop3A_653 {add = true, strides = array<i32>} : memref<128x128xf32, #tpu.memory_space<vmem>>, vector<1x16xf32>,
      %parallel_loop3A_654 = arith.index_cast %parallel_loop3A_611 : i32 to index
      %parallel_loop3A_655 = arith.constant 48 : index
      %parallel_loop3A_656 = tpu.vector_load %arg14[%parallel_loop3A_654, %parallel_loop3A_655] {strides = array<i32>} : memref<128x128xf32, #tpu.memory_space<vmem>>, vector<1x16xf32>,
      %parallel_loop3A_657 = vector.shape_cast %parallel_loop3A_656 : vector<1x16xf32> to vector<16xf32>
      %parallel_loop3A_658 = arith.index_cast %parallel_loop3A_611 : i32 to index
      %parallel_loop3A_659 = arith.constant 48 : index
      %parallel_loop3A_660 = tpu.vector_load %arg16[%parallel_loop3A_658, %parallel_loop3A_659] {strides = array<i32>} : memref<128x128xf32, #tpu.memory_space<vmem>>, vector<1x16xf32>,
      %parallel_loop3A_661 = vector.shape_cast %parallel_loop3A_660 : vector<1x16xf32> to vector<16xf32>
      %parallel_loop3A_662 = arith.addf %parallel_loop3A_657, %parallel_loop3A_661 : vector<16xf32>
      %parallel_loop3A_663 = arith.index_cast %parallel_loop3A_611 : i32 to index
      %parallel_loop3A_664 = arith.constant 48 : index
      %parallel_loop3A_665 = tpu.vector_load %arg12[%parallel_loop3A_663, %parallel_loop3A_664] {strides = array<i32>} : memref<128x128xf32, #tpu.memory_space<vmem>>, vector<1x16xf32>,
      %parallel_loop3A_666 = vector.shape_cast %parallel_loop3A_665 : vector<1x16xf32> to vector<16xf32>
      %parallel_loop3A_667 = vector.shape_cast %parallel_loop3A_662 : vector<16xf32> to vector<1x16xf32>
      tpu.vector_store %arg12[%parallel_loop3A_663, %parallel_loop3A_664], %parallel_loop3A_667 {add = true, strides = array<i32>} : memref<128x128xf32, #tpu.memory_space<vmem>>, vector<1x16xf32>,
      %parallel_loop3A_668 = arith.index_cast %parallel_loop3A_611 : i32 to index
      %parallel_loop3A_669 = arith.constant 64 : index
      %parallel_loop3A_670 = tpu.vector_load %arg14[%parallel_loop3A_668, %parallel_loop3A_669] {strides = array<i32>} : memref<128x128xf32, #tpu.memory_space<vmem>>, vector<1x16xf32>,
      %parallel_loop3A_671 = vector.shape_cast %parallel_loop3A_670 : vector<1x16xf32> to vector<16xf32>
      %parallel_loop3A_672 = arith.index_cast %parallel_loop3A_611 : i32 to index
      %parallel_loop3A_673 = arith.constant 64 : index
      %parallel_loop3A_674 = tpu.vector_load %arg16[%parallel_loop3A_672, %parallel_loop3A_673] {strides = array<i32>} : memref<128x128xf32, #tpu.memory_space<vmem>>, vector<1x16xf32>,
      %parallel_loop3A_675 = vector.shape_cast %parallel_loop3A_674 : vector<1x16xf32> to vector<16xf32>
      %parallel_loop3A_676 = arith.addf %parallel_loop3A_671, %parallel_loop3A_675 : vector<16xf32>
      %parallel_loop3A_677 = arith.index_cast %parallel_loop3A_611 : i32 to index
      %parallel_loop3A_678 = arith.constant 64 : index
      %parallel_loop3A_679 = tpu.vector_load %arg12[%parallel_loop3A_677, %parallel_loop3A_678] {strides = array<i32>} : memref<128x128xf32, #tpu.memory_space<vmem>>, vector<1x16xf32>,
      %parallel_loop3A_680 = vector.shape_cast %parallel_loop3A_679 : vector<1x16xf32> to vector<16xf32>
      %parallel_loop3A_681 = vector.shape_cast %parallel_loop3A_676 : vector<16xf32> to vector<1x16xf32>
      tpu.vector_store %arg12[%parallel_loop3A_677, %parallel_loop3A_678], %parallel_loop3A_681 {add = true, strides = array<i32>} : memref<128x128xf32, #tpu.memory_space<vmem>>, vector<1x16xf32>,
      %parallel_loop3A_682 = arith.index_cast %parallel_loop3A_611 : i32 to index
      %parallel_loop3A_683 = arith.constant 80 : index
      %parallel_loop3A_684 = tpu.vector_load %arg14[%parallel_loop3A_682, %parallel_loop3A_683] {strides = array<i32>} : memref<128x128xf32, #tpu.memory_space<vmem>>, vector<1x16xf32>,
      %parallel_loop3A_685 = vector.shape_cast %parallel_loop3A_684 : vector<1x16xf32> to vector<16xf32>
      %parallel_loop3A_686 = arith.index_cast %parallel_loop3A_611 : i32 to index
      %parallel_loop3A_687 = arith.constant 80 : index
      %parallel_loop3A_688 = tpu.vector_load %arg16[%parallel_loop3A_686, %parallel_loop3A_687] {strides = array<i32>} : memref<128x128xf32, #tpu.memory_space<vmem>>, vector<1x16xf32>,
      %parallel_loop3A_689 = vector.shape_cast %parallel_loop3A_688 : vector<1x16xf32> to vector<16xf32>
      %parallel_loop3A_690 = arith.addf %parallel_loop3A_685, %parallel_loop3A_689 : vector<16xf32>
      %parallel_loop3A_691 = arith.index_cast %parallel_loop3A_611 : i32 to index
      %parallel_loop3A_692 = arith.constant 80 : index
      %parallel_loop3A_693 = tpu.vector_load %arg12[%parallel_loop3A_691, %parallel_loop3A_692] {strides = array<i32>} : memref<128x128xf32, #tpu.memory_space<vmem>>, vector<1x16xf32>,
      %parallel_loop3A_694 = vector.shape_cast %parallel_loop3A_693 : vector<1x16xf32> to vector<16xf32>
      %parallel_loop3A_695 = vector.shape_cast %parallel_loop3A_690 : vector<16xf32> to vector<1x16xf32>
      tpu.vector_store %arg12[%parallel_loop3A_691, %parallel_loop3A_692], %parallel_loop3A_695 {add = true, strides = array<i32>} : memref<128x128xf32, #tpu.memory_space<vmem>>, vector<1x16xf32>,
      %parallel_loop3A_696 = arith.index_cast %parallel_loop3A_611 : i32 to index
      %parallel_loop3A_697 = arith.constant 96 : index
      %parallel_loop3A_698 = tpu.vector_load %arg14[%parallel_loop3A_696, %parallel_loop3A_697] {strides = array<i32>} : memref<128x128xf32, #tpu.memory_space<vmem>>, vector<1x16xf32>,
      %parallel_loop3A_699 = vector.shape_cast %parallel_loop3A_698 : vector<1x16xf32> to vector<16xf32>
      %parallel_loop3A_700 = arith.index_cast %parallel_loop3A_611 : i32 to index
      %parallel_loop3A_701 = arith.constant 96 : index
      %parallel_loop3A_702 = tpu.vector_load %arg16[%parallel_loop3A_700, %parallel_loop3A_701] {strides = array<i32>} : memref<128x128xf32, #tpu.memory_space<vmem>>, vector<1x16xf32>,
      %parallel_loop3A_703 = vector.shape_cast %parallel_loop3A_702 : vector<1x16xf32> to vector<16xf32>
      %parallel_loop3A_704 = arith.addf %parallel_loop3A_699, %parallel_loop3A_703 : vector<16xf32>
      %parallel_loop3A_705 = arith.index_cast %parallel_loop3A_611 : i32 to index
      %parallel_loop3A_706 = arith.constant 96 : index
      %parallel_loop3A_707 = tpu.vector_load %arg12[%parallel_loop3A_705, %parallel_loop3A_706] {strides = array<i32>} : memref<128x128xf32, #tpu.memory_space<vmem>>, vector<1x16xf32>,
      %parallel_loop3A_708 = vector.shape_cast %parallel_loop3A_707 : vector<1x16xf32> to vector<16xf32>
      %parallel_loop3A_709 = vector.shape_cast %parallel_loop3A_704 : vector<16xf32> to vector<1x16xf32>
      tpu.vector_store %arg12[%parallel_loop3A_705, %parallel_loop3A_706], %parallel_loop3A_709 {add = true, strides = array<i32>} : memref<128x128xf32, #tpu.memory_space<vmem>>, vector<1x16xf32>,
      %parallel_loop3A_710 = arith.index_cast %parallel_loop3A_611 : i32 to index
      %parallel_loop3A_711 = arith.constant 112 : index
      %parallel_loop3A_712 = tpu.vector_load %arg14[%parallel_loop3A_710, %parallel_loop3A_711] {strides = array<i32>} : memref<128x128xf32, #tpu.memory_space<vmem>>, vector<1x16xf32>,
      %parallel_loop3A_713 = vector.shape_cast %parallel_loop3A_712 : vector<1x16xf32> to vector<16xf32>
      %parallel_loop3A_714 = arith.index_cast %parallel_loop3A_611 : i32 to index
      %parallel_loop3A_715 = arith.constant 112 : index
      %parallel_loop3A_716 = tpu.vector_load %arg16[%parallel_loop3A_714, %parallel_loop3A_715] {strides = array<i32>} : memref<128x128xf32, #tpu.memory_space<vmem>>, vector<1x16xf32>,
      %parallel_loop3A_717 = vector.shape_cast %parallel_loop3A_716 : vector<1x16xf32> to vector<16xf32>
      %parallel_loop3A_718 = arith.addf %parallel_loop3A_713, %parallel_loop3A_717 : vector<16xf32>
      %parallel_loop3A_719 = arith.index_cast %parallel_loop3A_611 : i32 to index
      %parallel_loop3A_720 = arith.constant 112 : index
      %parallel_loop3A_721 = tpu.vector_load %arg12[%parallel_loop3A_719, %parallel_loop3A_720] {strides = array<i32>} : memref<128x128xf32, #tpu.memory_space<vmem>>, vector<1x16xf32>,
      %parallel_loop3A_722 = vector.shape_cast %parallel_loop3A_721 : vector<1x16xf32> to vector<16xf32>
      %parallel_loop3A_723 = vector.shape_cast %parallel_loop3A_718 : vector<16xf32> to vector<1x16xf32>
      tpu.vector_store %arg12[%parallel_loop3A_719, %parallel_loop3A_720], %parallel_loop3A_723 {add = true, strides = array<i32>} : memref<128x128xf32, #tpu.memory_space<vmem>>, vector<1x16xf32>,
    } {sc.loop_unroll_factor = 2 : i64, sc.parallel_access}
    %dma_start3A_450 = arith.constant 1 : i32
    %dma_start3A_451 = arith.constant 0 : i32
    %dma_start3A_452 = tpu.memref_slice %arg11[%dma_start3A_450, %dma_start3A_451] : memref<4x128xi32, #tpu.memory_space<vmem>> -> memref<1x128xi32, #tpu.memory_space<vmem>>
    %dma_start3A_453 = tpu.memref_squeeze %dma_start3A_452 : memref<1x128xi32, #tpu.memory_space<vmem>> -> memref<128xi32, #tpu.memory_space<vmem>>
    %dma_start3A_454 = arith.constant 0 : i32
    %dma_start3A_455 = arith.constant 0 : i32
    %dma_start3A_456 = tpu.memref_slice %arg18[%dma_start3A_454, %dma_start3A_455] : memref<64x128xf32, #tpu.memory_space<vmem_shared>> -> memref<64x128xf32, #tpu.memory_space<vmem_shared>>
    tpu.enqueue_indirect_dma source(%dma_start3A_456 : memref<64x128xf32, #tpu.memory_space<vmem_shared>>) target(%arg16 : memref<128x128xf32, #tpu.memory_space<vmem>>) offsets(%dma_start3A_453 : memref<128xi32, #tpu.memory_space<vmem>>) semaphore(%arg23 : memref<!tpu.dma_semaphore, #tpu.memory_space<semaphore_mem>>)
    %add3A_457 = arith.constant 0 : i32
    %add3A_458 = arith.addi %mul3A_2, %add3A_457 : i32
    %dma_start3A_459 = arith.constant 0 : i32
    %dma_start3A_460 = tpu.memref_slice %arg8[%add3A_458, %dma_start3A_459] : memref<16384x128xf32, #tpu.memory_space<hbm>> -> memref<128x128xf32, #tpu.memory_space<hbm>>
    %dma_start3A_461 = arith.constant 0 : i32
    %dma_start3A_462 = tpu.memref_slice %arg8[%add3A_458, %dma_start3A_461] : memref<16384x128xf32, #tpu.memory_space<hbm>> -> memref<128x128xf32, #tpu.memory_space<hbm>>
    tpu.enqueue_dma source(%arg12 : memref<128x128xf32, #tpu.memory_space<vmem>>) target(%dma_start3A_462 : memref<128x128xf32, #tpu.memory_space<hbm>>) target_semaphore(%arg24 : memref<!tpu.dma_semaphore, #tpu.memory_space<semaphore_mem>>)
    %dma_wait3A_463 = arith.constant 0 : i32
    %dma_wait3A_464 = tpu.memref_slice %arg8[%add3A_458, %dma_wait3A_463] : memref<16384x128xf32, #tpu.memory_space<hbm>> -> memref<128x128xf32, #tpu.memory_space<hbm>>
    %dma_wait3A_465 = arith.constant 0 : i32
    %dma_wait3A_466 = tpu.memref_slice %arg8[%add3A_458, %dma_wait3A_465] : memref<16384x128xf32, #tpu.memory_space<hbm>> -> memref<128x128xf32, #tpu.memory_space<hbm>>
    tpu.wait_dma2 semaphore(%arg24 : memref<!tpu.dma_semaphore, #tpu.memory_space<semaphore_mem>>) src(%arg12 : memref<128x128xf32, #tpu.memory_space<vmem>>) dst(%dma_wait3A_466 : memref<128x128xf32, #tpu.memory_space<hbm>>)
    %dma_start3A_467 = arith.constant 2 : i32
    %dma_start3A_468 = arith.constant 0 : i32
    %dma_start3A_469 = tpu.memref_slice %arg9[%dma_start3A_467, %dma_start3A_468] : memref<4x128xi32, #tpu.memory_space<vmem>> -> memref<1x128xi32, #tpu.memory_space<vmem>>
    %dma_start3A_470 = tpu.memref_squeeze %dma_start3A_469 : memref<1x128xi32, #tpu.memory_space<vmem>> -> memref<128xi32, #tpu.memory_space<vmem>>
    %dma_start3A_471 = arith.constant 0 : i32
    %dma_start3A_472 = arith.constant 0 : i32
    %dma_start3A_473 = tpu.memref_slice %arg5[%dma_start3A_471, %dma_start3A_472] : memref<100000x128xf32, #tpu.memory_space<hbm>> -> memref<100000x128xf32, #tpu.memory_space<hbm>>
    tpu.enqueue_indirect_dma source(%dma_start3A_473 : memref<100000x128xf32, #tpu.memory_space<hbm>>) target(%arg12 : memref<128x128xf32, #tpu.memory_space<vmem>>) offsets(%dma_start3A_470 : memref<128xi32, #tpu.memory_space<vmem>>) semaphore(%arg19 : memref<!tpu.dma_semaphore, #tpu.memory_space<semaphore_mem>>)
    %dma_start3A_474 = arith.constant 2 : i32
    %dma_start3A_475 = arith.constant 0 : i32
    %dma_start3A_476 = tpu.memref_slice %arg10[%dma_start3A_474, %dma_start3A_475] : memref<4x128xi32, #tpu.memory_space<vmem>> -> memref<1x128xi32, #tpu.memory_space<vmem>>
    %dma_start3A_477 = tpu.memref_squeeze %dma_start3A_476 : memref<1x128xi32, #tpu.memory_space<vmem>> -> memref<128xi32, #tpu.memory_space<vmem>>
    %dma_start3A_478 = arith.constant 0 : i32
    %dma_start3A_479 = arith.constant 0 : i32
    %dma_start3A_480 = tpu.memref_slice %arg17[%dma_start3A_478, %dma_start3A_479] : memref<4096x128xf32, #tpu.memory_space<vmem_shared>> -> memref<4096x128xf32, #tpu.memory_space<vmem_shared>>
    tpu.enqueue_indirect_dma source(%dma_start3A_480 : memref<4096x128xf32, #tpu.memory_space<vmem_shared>>) target(%arg14 : memref<128x128xf32, #tpu.memory_space<vmem>>) offsets(%dma_start3A_477 : memref<128xi32, #tpu.memory_space<vmem>>) semaphore(%arg21 : memref<!tpu.dma_semaphore, #tpu.memory_space<semaphore_mem>>)
    %dma_wait3A_481 = arith.constant 1 : i32
    %dma_wait3A_482 = arith.constant 0 : i32
    %dma_wait3A_483 = tpu.memref_slice %arg9[%dma_wait3A_481, %dma_wait3A_482] : memref<4x128xi32, #tpu.memory_space<vmem>> -> memref<1x128xi32, #tpu.memory_space<vmem>>
    %dma_wait3A_484 = tpu.memref_squeeze %dma_wait3A_483 : memref<1x128xi32, #tpu.memory_space<vmem>> -> memref<128xi32, #tpu.memory_space<vmem>>
    %dma_wait3A_485 = arith.constant 0 : i32
    %dma_wait3A_486 = arith.constant 0 : i32
    %dma_wait3A_487 = tpu.memref_slice %arg5[%dma_wait3A_485, %dma_wait3A_486] : memref<100000x128xf32, #tpu.memory_space<hbm>> -> memref<100000x128xf32, #tpu.memory_space<hbm>>
    tpu.wait_indirect_dma semaphore(%arg20 : memref<!tpu.dma_semaphore, #tpu.memory_space<semaphore_mem>>) src(%dma_wait3A_487 : memref<100000x128xf32, #tpu.memory_space<hbm>>) dst(%arg13 : memref<128x128xf32, #tpu.memory_space<vmem>>)
    %dma_wait3A_488 = arith.constant 1 : i32
    %dma_wait3A_489 = arith.constant 0 : i32
    %dma_wait3A_490 = tpu.memref_slice %arg10[%dma_wait3A_488, %dma_wait3A_489] : memref<4x128xi32, #tpu.memory_space<vmem>> -> memref<1x128xi32, #tpu.memory_space<vmem>>
    %dma_wait3A_491 = tpu.memref_squeeze %dma_wait3A_490 : memref<1x128xi32, #tpu.memory_space<vmem>> -> memref<128xi32, #tpu.memory_space<vmem>>
    %dma_wait3A_492 = arith.constant 0 : i32
    %dma_wait3A_493 = arith.constant 0 : i32
    %dma_wait3A_494 = tpu.memref_slice %arg17[%dma_wait3A_492, %dma_wait3A_493] : memref<4096x128xf32, #tpu.memory_space<vmem_shared>> -> memref<4096x128xf32, #tpu.memory_space<vmem_shared>>
    tpu.wait_indirect_dma semaphore(%arg22 : memref<!tpu.dma_semaphore, #tpu.memory_space<semaphore_mem>>) src(%dma_wait3A_494 : memref<4096x128xf32, #tpu.memory_space<vmem_shared>>) dst(%arg15 : memref<128x128xf32, #tpu.memory_space<vmem>>)
    %dma_wait3A_495 = arith.constant 1 : i32
    %dma_wait3A_496 = arith.constant 0 : i32
    %dma_wait3A_497 = tpu.memref_slice %arg11[%dma_wait3A_495, %dma_wait3A_496] : memref<4x128xi32, #tpu.memory_space<vmem>> -> memref<1x128xi32, #tpu.memory_space<vmem>>
    %dma_wait3A_498 = tpu.memref_squeeze %dma_wait3A_497 : memref<1x128xi32, #tpu.memory_space<vmem>> -> memref<128xi32, #tpu.memory_space<vmem>>
    %dma_wait3A_499 = arith.constant 0 : i32
    %dma_wait3A_500 = arith.constant 0 : i32
    %dma_wait3A_501 = tpu.memref_slice %arg18[%dma_wait3A_499, %dma_wait3A_500] : memref<64x128xf32, #tpu.memory_space<vmem_shared>> -> memref<64x128xf32, #tpu.memory_space<vmem_shared>>
    tpu.wait_indirect_dma semaphore(%arg23 : memref<!tpu.dma_semaphore, #tpu.memory_space<semaphore_mem>>) src(%dma_wait3A_501 : memref<64x128xf32, #tpu.memory_space<vmem_shared>>) dst(%arg16 : memref<128x128xf32, #tpu.memory_space<vmem>>)
    %parallel_loop3A_502 = arith.constant 0 : i32
    %parallel_loop3A_503 = arith.constant 128 : i32
    %parallel_loop3A_504 = arith.constant 1 : i32
    scf.for %parallel_loop3A_611 = %parallel_loop3A_502 to %parallel_loop3A_503 step %parallel_loop3A_504  : i32 {
      %parallel_loop3A_612 = arith.index_cast %parallel_loop3A_611 : i32 to index
      %parallel_loop3A_613 = arith.constant 0 : index
      %parallel_loop3A_614 = tpu.vector_load %arg15[%parallel_loop3A_612, %parallel_loop3A_613] {strides = array<i32>} : memref<128x128xf32, #tpu.memory_space<vmem>>, vector<1x16xf32>,
      %parallel_loop3A_615 = vector.shape_cast %parallel_loop3A_614 : vector<1x16xf32> to vector<16xf32>
      %parallel_loop3A_616 = arith.index_cast %parallel_loop3A_611 : i32 to index
      %parallel_loop3A_617 = arith.constant 0 : index
      %parallel_loop3A_618 = tpu.vector_load %arg16[%parallel_loop3A_616, %parallel_loop3A_617] {strides = array<i32>} : memref<128x128xf32, #tpu.memory_space<vmem>>, vector<1x16xf32>,
      %parallel_loop3A_619 = vector.shape_cast %parallel_loop3A_618 : vector<1x16xf32> to vector<16xf32>
      %parallel_loop3A_620 = arith.addf %parallel_loop3A_615, %parallel_loop3A_619 : vector<16xf32>
      %parallel_loop3A_621 = arith.index_cast %parallel_loop3A_611 : i32 to index
      %parallel_loop3A_622 = arith.constant 0 : index
      %parallel_loop3A_623 = tpu.vector_load %arg13[%parallel_loop3A_621, %parallel_loop3A_622] {strides = array<i32>} : memref<128x128xf32, #tpu.memory_space<vmem>>, vector<1x16xf32>,
      %parallel_loop3A_624 = vector.shape_cast %parallel_loop3A_623 : vector<1x16xf32> to vector<16xf32>
      %parallel_loop3A_625 = vector.shape_cast %parallel_loop3A_620 : vector<16xf32> to vector<1x16xf32>
      tpu.vector_store %arg13[%parallel_loop3A_621, %parallel_loop3A_622], %parallel_loop3A_625 {add = true, strides = array<i32>} : memref<128x128xf32, #tpu.memory_space<vmem>>, vector<1x16xf32>,
      %parallel_loop3A_626 = arith.index_cast %parallel_loop3A_611 : i32 to index
      %parallel_loop3A_627 = arith.constant 16 : index
      %parallel_loop3A_628 = tpu.vector_load %arg15[%parallel_loop3A_626, %parallel_loop3A_627] {strides = array<i32>} : memref<128x128xf32, #tpu.memory_space<vmem>>, vector<1x16xf32>,
      %parallel_loop3A_629 = vector.shape_cast %parallel_loop3A_628 : vector<1x16xf32> to vector<16xf32>
      %parallel_loop3A_630 = arith.index_cast %parallel_loop3A_611 : i32 to index
      %parallel_loop3A_631 = arith.constant 16 : index
      %parallel_loop3A_632 = tpu.vector_load %arg16[%parallel_loop3A_630, %parallel_loop3A_631] {strides = array<i32>} : memref<128x128xf32, #tpu.memory_space<vmem>>, vector<1x16xf32>,
      %parallel_loop3A_633 = vector.shape_cast %parallel_loop3A_632 : vector<1x16xf32> to vector<16xf32>
      %parallel_loop3A_634 = arith.addf %parallel_loop3A_629, %parallel_loop3A_633 : vector<16xf32>
      %parallel_loop3A_635 = arith.index_cast %parallel_loop3A_611 : i32 to index
      %parallel_loop3A_636 = arith.constant 16 : index
      %parallel_loop3A_637 = tpu.vector_load %arg13[%parallel_loop3A_635, %parallel_loop3A_636] {strides = array<i32>} : memref<128x128xf32, #tpu.memory_space<vmem>>, vector<1x16xf32>,
      %parallel_loop3A_638 = vector.shape_cast %parallel_loop3A_637 : vector<1x16xf32> to vector<16xf32>
      %parallel_loop3A_639 = vector.shape_cast %parallel_loop3A_634 : vector<16xf32> to vector<1x16xf32>
      tpu.vector_store %arg13[%parallel_loop3A_635, %parallel_loop3A_636], %parallel_loop3A_639 {add = true, strides = array<i32>} : memref<128x128xf32, #tpu.memory_space<vmem>>, vector<1x16xf32>,
      %parallel_loop3A_640 = arith.index_cast %parallel_loop3A_611 : i32 to index
      %parallel_loop3A_641 = arith.constant 32 : index
      %parallel_loop3A_642 = tpu.vector_load %arg15[%parallel_loop3A_640, %parallel_loop3A_641] {strides = array<i32>} : memref<128x128xf32, #tpu.memory_space<vmem>>, vector<1x16xf32>,
      %parallel_loop3A_643 = vector.shape_cast %parallel_loop3A_642 : vector<1x16xf32> to vector<16xf32>
      %parallel_loop3A_644 = arith.index_cast %parallel_loop3A_611 : i32 to index
      %parallel_loop3A_645 = arith.constant 32 : index
      %parallel_loop3A_646 = tpu.vector_load %arg16[%parallel_loop3A_644, %parallel_loop3A_645] {strides = array<i32>} : memref<128x128xf32, #tpu.memory_space<vmem>>, vector<1x16xf32>,
      %parallel_loop3A_647 = vector.shape_cast %parallel_loop3A_646 : vector<1x16xf32> to vector<16xf32>
      %parallel_loop3A_648 = arith.addf %parallel_loop3A_643, %parallel_loop3A_647 : vector<16xf32>
      %parallel_loop3A_649 = arith.index_cast %parallel_loop3A_611 : i32 to index
      %parallel_loop3A_650 = arith.constant 32 : index
      %parallel_loop3A_651 = tpu.vector_load %arg13[%parallel_loop3A_649, %parallel_loop3A_650] {strides = array<i32>} : memref<128x128xf32, #tpu.memory_space<vmem>>, vector<1x16xf32>,
      %parallel_loop3A_652 = vector.shape_cast %parallel_loop3A_651 : vector<1x16xf32> to vector<16xf32>
      %parallel_loop3A_653 = vector.shape_cast %parallel_loop3A_648 : vector<16xf32> to vector<1x16xf32>
      tpu.vector_store %arg13[%parallel_loop3A_649, %parallel_loop3A_650], %parallel_loop3A_653 {add = true, strides = array<i32>} : memref<128x128xf32, #tpu.memory_space<vmem>>, vector<1x16xf32>,
      %parallel_loop3A_654 = arith.index_cast %parallel_loop3A_611 : i32 to index
      %parallel_loop3A_655 = arith.constant 48 : index
      %parallel_loop3A_656 = tpu.vector_load %arg15[%parallel_loop3A_654, %parallel_loop3A_655] {strides = array<i32>} : memref<128x128xf32, #tpu.memory_space<vmem>>, vector<1x16xf32>,
      %parallel_loop3A_657 = vector.shape_cast %parallel_loop3A_656 : vector<1x16xf32> to vector<16xf32>
      %parallel_loop3A_658 = arith.index_cast %parallel_loop3A_611 : i32 to index
      %parallel_loop3A_659 = arith.constant 48 : index
      %parallel_loop3A_660 = tpu.vector_load %arg16[%parallel_loop3A_658, %parallel_loop3A_659] {strides = array<i32>} : memref<128x128xf32, #tpu.memory_space<vmem>>, vector<1x16xf32>,
      %parallel_loop3A_661 = vector.shape_cast %parallel_loop3A_660 : vector<1x16xf32> to vector<16xf32>
      %parallel_loop3A_662 = arith.addf %parallel_loop3A_657, %parallel_loop3A_661 : vector<16xf32>
      %parallel_loop3A_663 = arith.index_cast %parallel_loop3A_611 : i32 to index
      %parallel_loop3A_664 = arith.constant 48 : index
      %parallel_loop3A_665 = tpu.vector_load %arg13[%parallel_loop3A_663, %parallel_loop3A_664] {strides = array<i32>} : memref<128x128xf32, #tpu.memory_space<vmem>>, vector<1x16xf32>,
      %parallel_loop3A_666 = vector.shape_cast %parallel_loop3A_665 : vector<1x16xf32> to vector<16xf32>
      %parallel_loop3A_667 = vector.shape_cast %parallel_loop3A_662 : vector<16xf32> to vector<1x16xf32>
      tpu.vector_store %arg13[%parallel_loop3A_663, %parallel_loop3A_664], %parallel_loop3A_667 {add = true, strides = array<i32>} : memref<128x128xf32, #tpu.memory_space<vmem>>, vector<1x16xf32>,
      %parallel_loop3A_668 = arith.index_cast %parallel_loop3A_611 : i32 to index
      %parallel_loop3A_669 = arith.constant 64 : index
      %parallel_loop3A_670 = tpu.vector_load %arg15[%parallel_loop3A_668, %parallel_loop3A_669] {strides = array<i32>} : memref<128x128xf32, #tpu.memory_space<vmem>>, vector<1x16xf32>,
      %parallel_loop3A_671 = vector.shape_cast %parallel_loop3A_670 : vector<1x16xf32> to vector<16xf32>
      %parallel_loop3A_672 = arith.index_cast %parallel_loop3A_611 : i32 to index
      %parallel_loop3A_673 = arith.constant 64 : index
      %parallel_loop3A_674 = tpu.vector_load %arg16[%parallel_loop3A_672, %parallel_loop3A_673] {strides = array<i32>} : memref<128x128xf32, #tpu.memory_space<vmem>>, vector<1x16xf32>,
      %parallel_loop3A_675 = vector.shape_cast %parallel_loop3A_674 : vector<1x16xf32> to vector<16xf32>
      %parallel_loop3A_676 = arith.addf %parallel_loop3A_671, %parallel_loop3A_675 : vector<16xf32>
      %parallel_loop3A_677 = arith.index_cast %parallel_loop3A_611 : i32 to index
      %parallel_loop3A_678 = arith.constant 64 : index
      %parallel_loop3A_679 = tpu.vector_load %arg13[%parallel_loop3A_677, %parallel_loop3A_678] {strides = array<i32>} : memref<128x128xf32, #tpu.memory_space<vmem>>, vector<1x16xf32>,
      %parallel_loop3A_680 = vector.shape_cast %parallel_loop3A_679 : vector<1x16xf32> to vector<16xf32>
      %parallel_loop3A_681 = vector.shape_cast %parallel_loop3A_676 : vector<16xf32> to vector<1x16xf32>
      tpu.vector_store %arg13[%parallel_loop3A_677, %parallel_loop3A_678], %parallel_loop3A_681 {add = true, strides = array<i32>} : memref<128x128xf32, #tpu.memory_space<vmem>>, vector<1x16xf32>,
      %parallel_loop3A_682 = arith.index_cast %parallel_loop3A_611 : i32 to index
      %parallel_loop3A_683 = arith.constant 80 : index
      %parallel_loop3A_684 = tpu.vector_load %arg15[%parallel_loop3A_682, %parallel_loop3A_683] {strides = array<i32>} : memref<128x128xf32, #tpu.memory_space<vmem>>, vector<1x16xf32>,
      %parallel_loop3A_685 = vector.shape_cast %parallel_loop3A_684 : vector<1x16xf32> to vector<16xf32>
      %parallel_loop3A_686 = arith.index_cast %parallel_loop3A_611 : i32 to index
      %parallel_loop3A_687 = arith.constant 80 : index
      %parallel_loop3A_688 = tpu.vector_load %arg16[%parallel_loop3A_686, %parallel_loop3A_687] {strides = array<i32>} : memref<128x128xf32, #tpu.memory_space<vmem>>, vector<1x16xf32>,
      %parallel_loop3A_689 = vector.shape_cast %parallel_loop3A_688 : vector<1x16xf32> to vector<16xf32>
      %parallel_loop3A_690 = arith.addf %parallel_loop3A_685, %parallel_loop3A_689 : vector<16xf32>
      %parallel_loop3A_691 = arith.index_cast %parallel_loop3A_611 : i32 to index
      %parallel_loop3A_692 = arith.constant 80 : index
      %parallel_loop3A_693 = tpu.vector_load %arg13[%parallel_loop3A_691, %parallel_loop3A_692] {strides = array<i32>} : memref<128x128xf32, #tpu.memory_space<vmem>>, vector<1x16xf32>,
      %parallel_loop3A_694 = vector.shape_cast %parallel_loop3A_693 : vector<1x16xf32> to vector<16xf32>
      %parallel_loop3A_695 = vector.shape_cast %parallel_loop3A_690 : vector<16xf32> to vector<1x16xf32>
      tpu.vector_store %arg13[%parallel_loop3A_691, %parallel_loop3A_692], %parallel_loop3A_695 {add = true, strides = array<i32>} : memref<128x128xf32, #tpu.memory_space<vmem>>, vector<1x16xf32>,
      %parallel_loop3A_696 = arith.index_cast %parallel_loop3A_611 : i32 to index
      %parallel_loop3A_697 = arith.constant 96 : index
      %parallel_loop3A_698 = tpu.vector_load %arg15[%parallel_loop3A_696, %parallel_loop3A_697] {strides = array<i32>} : memref<128x128xf32, #tpu.memory_space<vmem>>, vector<1x16xf32>,
      %parallel_loop3A_699 = vector.shape_cast %parallel_loop3A_698 : vector<1x16xf32> to vector<16xf32>
      %parallel_loop3A_700 = arith.index_cast %parallel_loop3A_611 : i32 to index
      %parallel_loop3A_701 = arith.constant 96 : index
      %parallel_loop3A_702 = tpu.vector_load %arg16[%parallel_loop3A_700, %parallel_loop3A_701] {strides = array<i32>} : memref<128x128xf32, #tpu.memory_space<vmem>>, vector<1x16xf32>,
      %parallel_loop3A_703 = vector.shape_cast %parallel_loop3A_702 : vector<1x16xf32> to vector<16xf32>
      %parallel_loop3A_704 = arith.addf %parallel_loop3A_699, %parallel_loop3A_703 : vector<16xf32>
      %parallel_loop3A_705 = arith.index_cast %parallel_loop3A_611 : i32 to index
      %parallel_loop3A_706 = arith.constant 96 : index
      %parallel_loop3A_707 = tpu.vector_load %arg13[%parallel_loop3A_705, %parallel_loop3A_706] {strides = array<i32>} : memref<128x128xf32, #tpu.memory_space<vmem>>, vector<1x16xf32>,
      %parallel_loop3A_708 = vector.shape_cast %parallel_loop3A_707 : vector<1x16xf32> to vector<16xf32>
      %parallel_loop3A_709 = vector.shape_cast %parallel_loop3A_704 : vector<16xf32> to vector<1x16xf32>
      tpu.vector_store %arg13[%parallel_loop3A_705, %parallel_loop3A_706], %parallel_loop3A_709 {add = true, strides = array<i32>} : memref<128x128xf32, #tpu.memory_space<vmem>>, vector<1x16xf32>,
      %parallel_loop3A_710 = arith.index_cast %parallel_loop3A_611 : i32 to index
      %parallel_loop3A_711 = arith.constant 112 : index
      %parallel_loop3A_712 = tpu.vector_load %arg15[%parallel_loop3A_710, %parallel_loop3A_711] {strides = array<i32>} : memref<128x128xf32, #tpu.memory_space<vmem>>, vector<1x16xf32>,
      %parallel_loop3A_713 = vector.shape_cast %parallel_loop3A_712 : vector<1x16xf32> to vector<16xf32>
      %parallel_loop3A_714 = arith.index_cast %parallel_loop3A_611 : i32 to index
      %parallel_loop3A_715 = arith.constant 112 : index
      %parallel_loop3A_716 = tpu.vector_load %arg16[%parallel_loop3A_714, %parallel_loop3A_715] {strides = array<i32>} : memref<128x128xf32, #tpu.memory_space<vmem>>, vector<1x16xf32>,
      %parallel_loop3A_717 = vector.shape_cast %parallel_loop3A_716 : vector<1x16xf32> to vector<16xf32>
      %parallel_loop3A_718 = arith.addf %parallel_loop3A_713, %parallel_loop3A_717 : vector<16xf32>
      %parallel_loop3A_719 = arith.index_cast %parallel_loop3A_611 : i32 to index
      %parallel_loop3A_720 = arith.constant 112 : index
      %parallel_loop3A_721 = tpu.vector_load %arg13[%parallel_loop3A_719, %parallel_loop3A_720] {strides = array<i32>} : memref<128x128xf32, #tpu.memory_space<vmem>>, vector<1x16xf32>,
      %parallel_loop3A_722 = vector.shape_cast %parallel_loop3A_721 : vector<1x16xf32> to vector<16xf32>
      %parallel_loop3A_723 = vector.shape_cast %parallel_loop3A_718 : vector<16xf32> to vector<1x16xf32>
      tpu.vector_store %arg13[%parallel_loop3A_719, %parallel_loop3A_720], %parallel_loop3A_723 {add = true, strides = array<i32>} : memref<128x128xf32, #tpu.memory_space<vmem>>, vector<1x16xf32>,
    } {sc.loop_unroll_factor = 2 : i64, sc.parallel_access}
    %dma_start3A_505 = arith.constant 2 : i32
    %dma_start3A_506 = arith.constant 0 : i32
    %dma_start3A_507 = tpu.memref_slice %arg11[%dma_start3A_505, %dma_start3A_506] : memref<4x128xi32, #tpu.memory_space<vmem>> -> memref<1x128xi32, #tpu.memory_space<vmem>>
    %dma_start3A_508 = tpu.memref_squeeze %dma_start3A_507 : memref<1x128xi32, #tpu.memory_space<vmem>> -> memref<128xi32, #tpu.memory_space<vmem>>
    %dma_start3A_509 = arith.constant 0 : i32
    %dma_start3A_510 = arith.constant 0 : i32
    %dma_start3A_511 = tpu.memref_slice %arg18[%dma_start3A_509, %dma_start3A_510] : memref<64x128xf32, #tpu.memory_space<vmem_shared>> -> memref<64x128xf32, #tpu.memory_space<vmem_shared>>
    tpu.enqueue_indirect_dma source(%dma_start3A_511 : memref<64x128xf32, #tpu.memory_space<vmem_shared>>) target(%arg16 : memref<128x128xf32, #tpu.memory_space<vmem>>) offsets(%dma_start3A_508 : memref<128xi32, #tpu.memory_space<vmem>>) semaphore(%arg23 : memref<!tpu.dma_semaphore, #tpu.memory_space<semaphore_mem>>)
    %add3A_512 = arith.constant 128 : i32
    %add3A_513 = arith.addi %mul3A_2, %add3A_512 : i32
    %dma_start3A_514 = arith.constant 0 : i32
    %dma_start3A_515 = tpu.memref_slice %arg8[%add3A_513, %dma_start3A_514] : memref<16384x128xf32, #tpu.memory_space<hbm>> -> memref<128x128xf32, #tpu.memory_space<hbm>>
    %dma_start3A_516 = arith.constant 0 : i32
    %dma_start3A_517 = tpu.memref_slice %arg8[%add3A_513, %dma_start3A_516] : memref<16384x128xf32, #tpu.memory_space<hbm>> -> memref<128x128xf32, #tpu.memory_space<hbm>>
    tpu.enqueue_dma source(%arg13 : memref<128x128xf32, #tpu.memory_space<vmem>>) target(%dma_start3A_517 : memref<128x128xf32, #tpu.memory_space<hbm>>) target_semaphore(%arg25 : memref<!tpu.dma_semaphore, #tpu.memory_space<semaphore_mem>>)
    %dma_wait3A_518 = arith.constant 0 : i32
    %dma_wait3A_519 = tpu.memref_slice %arg8[%add3A_513, %dma_wait3A_518] : memref<16384x128xf32, #tpu.memory_space<hbm>> -> memref<128x128xf32, #tpu.memory_space<hbm>>
    %dma_wait3A_520 = arith.constant 0 : i32
    %dma_wait3A_521 = tpu.memref_slice %arg8[%add3A_513, %dma_wait3A_520] : memref<16384x128xf32, #tpu.memory_space<hbm>> -> memref<128x128xf32, #tpu.memory_space<hbm>>
    tpu.wait_dma2 semaphore(%arg25 : memref<!tpu.dma_semaphore, #tpu.memory_space<semaphore_mem>>) src(%arg13 : memref<128x128xf32, #tpu.memory_space<vmem>>) dst(%dma_wait3A_521 : memref<128x128xf32, #tpu.memory_space<hbm>>)
    %dma_start3A_522 = arith.constant 3 : i32
    %dma_start3A_523 = arith.constant 0 : i32
    %dma_start3A_524 = tpu.memref_slice %arg9[%dma_start3A_522, %dma_start3A_523] : memref<4x128xi32, #tpu.memory_space<vmem>> -> memref<1x128xi32, #tpu.memory_space<vmem>>
    %dma_start3A_525 = tpu.memref_squeeze %dma_start3A_524 : memref<1x128xi32, #tpu.memory_space<vmem>> -> memref<128xi32, #tpu.memory_space<vmem>>
    %dma_start3A_526 = arith.constant 0 : i32
    %dma_start3A_527 = arith.constant 0 : i32
    %dma_start3A_528 = tpu.memref_slice %arg5[%dma_start3A_526, %dma_start3A_527] : memref<100000x128xf32, #tpu.memory_space<hbm>> -> memref<100000x128xf32, #tpu.memory_space<hbm>>
    tpu.enqueue_indirect_dma source(%dma_start3A_528 : memref<100000x128xf32, #tpu.memory_space<hbm>>) target(%arg13 : memref<128x128xf32, #tpu.memory_space<vmem>>) offsets(%dma_start3A_525 : memref<128xi32, #tpu.memory_space<vmem>>) semaphore(%arg20 : memref<!tpu.dma_semaphore, #tpu.memory_space<semaphore_mem>>)
    %dma_start3A_529 = arith.constant 3 : i32
    %dma_start3A_530 = arith.constant 0 : i32
    %dma_start3A_531 = tpu.memref_slice %arg10[%dma_start3A_529, %dma_start3A_530] : memref<4x128xi32, #tpu.memory_space<vmem>> -> memref<1x128xi32, #tpu.memory_space<vmem>>
    %dma_start3A_532 = tpu.memref_squeeze %dma_start3A_531 : memref<1x128xi32, #tpu.memory_space<vmem>> -> memref<128xi32, #tpu.memory_space<vmem>>
    %dma_start3A_533 = arith.constant 0 : i32
    %dma_start3A_534 = arith.constant 0 : i32
    %dma_start3A_535 = tpu.memref_slice %arg17[%dma_start3A_533, %dma_start3A_534] : memref<4096x128xf32, #tpu.memory_space<vmem_shared>> -> memref<4096x128xf32, #tpu.memory_space<vmem_shared>>
    tpu.enqueue_indirect_dma source(%dma_start3A_535 : memref<4096x128xf32, #tpu.memory_space<vmem_shared>>) target(%arg15 : memref<128x128xf32, #tpu.memory_space<vmem>>) offsets(%dma_start3A_532 : memref<128xi32, #tpu.memory_space<vmem>>) semaphore(%arg22 : memref<!tpu.dma_semaphore, #tpu.memory_space<semaphore_mem>>)
    %dma_wait3A_536 = arith.constant 2 : i32
    %dma_wait3A_537 = arith.constant 0 : i32
    %dma_wait3A_538 = tpu.memref_slice %arg9[%dma_wait3A_536, %dma_wait3A_537] : memref<4x128xi32, #tpu.memory_space<vmem>> -> memref<1x128xi32, #tpu.memory_space<vmem>>
    %dma_wait3A_539 = tpu.memref_squeeze %dma_wait3A_538 : memref<1x128xi32, #tpu.memory_space<vmem>> -> memref<128xi32, #tpu.memory_space<vmem>>
    %dma_wait3A_540 = arith.constant 0 : i32
    %dma_wait3A_541 = arith.constant 0 : i32
    %dma_wait3A_542 = tpu.memref_slice %arg5[%dma_wait3A_540, %dma_wait3A_541] : memref<100000x128xf32, #tpu.memory_space<hbm>> -> memref<100000x128xf32, #tpu.memory_space<hbm>>
    tpu.wait_indirect_dma semaphore(%arg19 : memref<!tpu.dma_semaphore, #tpu.memory_space<semaphore_mem>>) src(%dma_wait3A_542 : memref<100000x128xf32, #tpu.memory_space<hbm>>) dst(%arg12 : memref<128x128xf32, #tpu.memory_space<vmem>>)
    %dma_wait3A_543 = arith.constant 2 : i32
    %dma_wait3A_544 = arith.constant 0 : i32
    %dma_wait3A_545 = tpu.memref_slice %arg10[%dma_wait3A_543, %dma_wait3A_544] : memref<4x128xi32, #tpu.memory_space<vmem>> -> memref<1x128xi32, #tpu.memory_space<vmem>>
    %dma_wait3A_546 = tpu.memref_squeeze %dma_wait3A_545 : memref<1x128xi32, #tpu.memory_space<vmem>> -> memref<128xi32, #tpu.memory_space<vmem>>
    %dma_wait3A_547 = arith.constant 0 : i32
    %dma_wait3A_548 = arith.constant 0 : i32
    %dma_wait3A_549 = tpu.memref_slice %arg17[%dma_wait3A_547, %dma_wait3A_548] : memref<4096x128xf32, #tpu.memory_space<vmem_shared>> -> memref<4096x128xf32, #tpu.memory_space<vmem_shared>>
    tpu.wait_indirect_dma semaphore(%arg21 : memref<!tpu.dma_semaphore, #tpu.memory_space<semaphore_mem>>) src(%dma_wait3A_549 : memref<4096x128xf32, #tpu.memory_space<vmem_shared>>) dst(%arg14 : memref<128x128xf32, #tpu.memory_space<vmem>>)
    %dma_wait3A_550 = arith.constant 2 : i32
    %dma_wait3A_551 = arith.constant 0 : i32
    %dma_wait3A_552 = tpu.memref_slice %arg11[%dma_wait3A_550, %dma_wait3A_551] : memref<4x128xi32, #tpu.memory_space<vmem>> -> memref<1x128xi32, #tpu.memory_space<vmem>>
    %dma_wait3A_553 = tpu.memref_squeeze %dma_wait3A_552 : memref<1x128xi32, #tpu.memory_space<vmem>> -> memref<128xi32, #tpu.memory_space<vmem>>
    %dma_wait3A_554 = arith.constant 0 : i32
    %dma_wait3A_555 = arith.constant 0 : i32
    %dma_wait3A_556 = tpu.memref_slice %arg18[%dma_wait3A_554, %dma_wait3A_555] : memref<64x128xf32, #tpu.memory_space<vmem_shared>> -> memref<64x128xf32, #tpu.memory_space<vmem_shared>>
    tpu.wait_indirect_dma semaphore(%arg23 : memref<!tpu.dma_semaphore, #tpu.memory_space<semaphore_mem>>) src(%dma_wait3A_556 : memref<64x128xf32, #tpu.memory_space<vmem_shared>>) dst(%arg16 : memref<128x128xf32, #tpu.memory_space<vmem>>)
    %parallel_loop3A_557 = arith.constant 0 : i32
    %parallel_loop3A_558 = arith.constant 128 : i32
    %parallel_loop3A_559 = arith.constant 1 : i32
    scf.for %parallel_loop3A_611 = %parallel_loop3A_557 to %parallel_loop3A_558 step %parallel_loop3A_559  : i32 {
      %parallel_loop3A_612 = arith.index_cast %parallel_loop3A_611 : i32 to index
      %parallel_loop3A_613 = arith.constant 0 : index
      %parallel_loop3A_614 = tpu.vector_load %arg14[%parallel_loop3A_612, %parallel_loop3A_613] {strides = array<i32>} : memref<128x128xf32, #tpu.memory_space<vmem>>, vector<1x16xf32>,
      %parallel_loop3A_615 = vector.shape_cast %parallel_loop3A_614 : vector<1x16xf32> to vector<16xf32>
      %parallel_loop3A_616 = arith.index_cast %parallel_loop3A_611 : i32 to index
      %parallel_loop3A_617 = arith.constant 0 : index
      %parallel_loop3A_618 = tpu.vector_load %arg16[%parallel_loop3A_616, %parallel_loop3A_617] {strides = array<i32>} : memref<128x128xf32, #tpu.memory_space<vmem>>, vector<1x16xf32>,
      %parallel_loop3A_619 = vector.shape_cast %parallel_loop3A_618 : vector<1x16xf32> to vector<16xf32>
      %parallel_loop3A_620 = arith.addf %parallel_loop3A_615, %parallel_loop3A_619 : vector<16xf32>
      %parallel_loop3A_621 = arith.index_cast %parallel_loop3A_611 : i32 to index
      %parallel_loop3A_622 = arith.constant 0 : index
      %parallel_loop3A_623 = tpu.vector_load %arg12[%parallel_loop3A_621, %parallel_loop3A_622] {strides = array<i32>} : memref<128x128xf32, #tpu.memory_space<vmem>>, vector<1x16xf32>,
      %parallel_loop3A_624 = vector.shape_cast %parallel_loop3A_623 : vector<1x16xf32> to vector<16xf32>
      %parallel_loop3A_625 = vector.shape_cast %parallel_loop3A_620 : vector<16xf32> to vector<1x16xf32>
      tpu.vector_store %arg12[%parallel_loop3A_621, %parallel_loop3A_622], %parallel_loop3A_625 {add = true, strides = array<i32>} : memref<128x128xf32, #tpu.memory_space<vmem>>, vector<1x16xf32>,
      %parallel_loop3A_626 = arith.index_cast %parallel_loop3A_611 : i32 to index
      %parallel_loop3A_627 = arith.constant 16 : index
      %parallel_loop3A_628 = tpu.vector_load %arg14[%parallel_loop3A_626, %parallel_loop3A_627] {strides = array<i32>} : memref<128x128xf32, #tpu.memory_space<vmem>>, vector<1x16xf32>,
      %parallel_loop3A_629 = vector.shape_cast %parallel_loop3A_628 : vector<1x16xf32> to vector<16xf32>
      %parallel_loop3A_630 = arith.index_cast %parallel_loop3A_611 : i32 to index
      %parallel_loop3A_631 = arith.constant 16 : index
      %parallel_loop3A_632 = tpu.vector_load %arg16[%parallel_loop3A_630, %parallel_loop3A_631] {strides = array<i32>} : memref<128x128xf32, #tpu.memory_space<vmem>>, vector<1x16xf32>,
      %parallel_loop3A_633 = vector.shape_cast %parallel_loop3A_632 : vector<1x16xf32> to vector<16xf32>
      %parallel_loop3A_634 = arith.addf %parallel_loop3A_629, %parallel_loop3A_633 : vector<16xf32>
      %parallel_loop3A_635 = arith.index_cast %parallel_loop3A_611 : i32 to index
      %parallel_loop3A_636 = arith.constant 16 : index
      %parallel_loop3A_637 = tpu.vector_load %arg12[%parallel_loop3A_635, %parallel_loop3A_636] {strides = array<i32>} : memref<128x128xf32, #tpu.memory_space<vmem>>, vector<1x16xf32>,
      %parallel_loop3A_638 = vector.shape_cast %parallel_loop3A_637 : vector<1x16xf32> to vector<16xf32>
      %parallel_loop3A_639 = vector.shape_cast %parallel_loop3A_634 : vector<16xf32> to vector<1x16xf32>
      tpu.vector_store %arg12[%parallel_loop3A_635, %parallel_loop3A_636], %parallel_loop3A_639 {add = true, strides = array<i32>} : memref<128x128xf32, #tpu.memory_space<vmem>>, vector<1x16xf32>,
      %parallel_loop3A_640 = arith.index_cast %parallel_loop3A_611 : i32 to index
      %parallel_loop3A_641 = arith.constant 32 : index
      %parallel_loop3A_642 = tpu.vector_load %arg14[%parallel_loop3A_640, %parallel_loop3A_641] {strides = array<i32>} : memref<128x128xf32, #tpu.memory_space<vmem>>, vector<1x16xf32>,
      %parallel_loop3A_643 = vector.shape_cast %parallel_loop3A_642 : vector<1x16xf32> to vector<16xf32>
      %parallel_loop3A_644 = arith.index_cast %parallel_loop3A_611 : i32 to index
      %parallel_loop3A_645 = arith.constant 32 : index
      %parallel_loop3A_646 = tpu.vector_load %arg16[%parallel_loop3A_644, %parallel_loop3A_645] {strides = array<i32>} : memref<128x128xf32, #tpu.memory_space<vmem>>, vector<1x16xf32>,
      %parallel_loop3A_647 = vector.shape_cast %parallel_loop3A_646 : vector<1x16xf32> to vector<16xf32>
      %parallel_loop3A_648 = arith.addf %parallel_loop3A_643, %parallel_loop3A_647 : vector<16xf32>
      %parallel_loop3A_649 = arith.index_cast %parallel_loop3A_611 : i32 to index
      %parallel_loop3A_650 = arith.constant 32 : index
      %parallel_loop3A_651 = tpu.vector_load %arg12[%parallel_loop3A_649, %parallel_loop3A_650] {strides = array<i32>} : memref<128x128xf32, #tpu.memory_space<vmem>>, vector<1x16xf32>,
      %parallel_loop3A_652 = vector.shape_cast %parallel_loop3A_651 : vector<1x16xf32> to vector<16xf32>
      %parallel_loop3A_653 = vector.shape_cast %parallel_loop3A_648 : vector<16xf32> to vector<1x16xf32>
      tpu.vector_store %arg12[%parallel_loop3A_649, %parallel_loop3A_650], %parallel_loop3A_653 {add = true, strides = array<i32>} : memref<128x128xf32, #tpu.memory_space<vmem>>, vector<1x16xf32>,
      %parallel_loop3A_654 = arith.index_cast %parallel_loop3A_611 : i32 to index
      %parallel_loop3A_655 = arith.constant 48 : index
      %parallel_loop3A_656 = tpu.vector_load %arg14[%parallel_loop3A_654, %parallel_loop3A_655] {strides = array<i32>} : memref<128x128xf32, #tpu.memory_space<vmem>>, vector<1x16xf32>,
      %parallel_loop3A_657 = vector.shape_cast %parallel_loop3A_656 : vector<1x16xf32> to vector<16xf32>
      %parallel_loop3A_658 = arith.index_cast %parallel_loop3A_611 : i32 to index
      %parallel_loop3A_659 = arith.constant 48 : index
      %parallel_loop3A_660 = tpu.vector_load %arg16[%parallel_loop3A_658, %parallel_loop3A_659] {strides = array<i32>} : memref<128x128xf32, #tpu.memory_space<vmem>>, vector<1x16xf32>,
      %parallel_loop3A_661 = vector.shape_cast %parallel_loop3A_660 : vector<1x16xf32> to vector<16xf32>
      %parallel_loop3A_662 = arith.addf %parallel_loop3A_657, %parallel_loop3A_661 : vector<16xf32>
      %parallel_loop3A_663 = arith.index_cast %parallel_loop3A_611 : i32 to index
      %parallel_loop3A_664 = arith.constant 48 : index
      %parallel_loop3A_665 = tpu.vector_load %arg12[%parallel_loop3A_663, %parallel_loop3A_664] {strides = array<i32>} : memref<128x128xf32, #tpu.memory_space<vmem>>, vector<1x16xf32>,
      %parallel_loop3A_666 = vector.shape_cast %parallel_loop3A_665 : vector<1x16xf32> to vector<16xf32>
      %parallel_loop3A_667 = vector.shape_cast %parallel_loop3A_662 : vector<16xf32> to vector<1x16xf32>
      tpu.vector_store %arg12[%parallel_loop3A_663, %parallel_loop3A_664], %parallel_loop3A_667 {add = true, strides = array<i32>} : memref<128x128xf32, #tpu.memory_space<vmem>>, vector<1x16xf32>,
      %parallel_loop3A_668 = arith.index_cast %parallel_loop3A_611 : i32 to index
      %parallel_loop3A_669 = arith.constant 64 : index
      %parallel_loop3A_670 = tpu.vector_load %arg14[%parallel_loop3A_668, %parallel_loop3A_669] {strides = array<i32>} : memref<128x128xf32, #tpu.memory_space<vmem>>, vector<1x16xf32>,
      %parallel_loop3A_671 = vector.shape_cast %parallel_loop3A_670 : vector<1x16xf32> to vector<16xf32>
      %parallel_loop3A_672 = arith.index_cast %parallel_loop3A_611 : i32 to index
      %parallel_loop3A_673 = arith.constant 64 : index
      %parallel_loop3A_674 = tpu.vector_load %arg16[%parallel_loop3A_672, %parallel_loop3A_673] {strides = array<i32>} : memref<128x128xf32, #tpu.memory_space<vmem>>, vector<1x16xf32>,
      %parallel_loop3A_675 = vector.shape_cast %parallel_loop3A_674 : vector<1x16xf32> to vector<16xf32>
      %parallel_loop3A_676 = arith.addf %parallel_loop3A_671, %parallel_loop3A_675 : vector<16xf32>
      %parallel_loop3A_677 = arith.index_cast %parallel_loop3A_611 : i32 to index
      %parallel_loop3A_678 = arith.constant 64 : index
      %parallel_loop3A_679 = tpu.vector_load %arg12[%parallel_loop3A_677, %parallel_loop3A_678] {strides = array<i32>} : memref<128x128xf32, #tpu.memory_space<vmem>>, vector<1x16xf32>,
      %parallel_loop3A_680 = vector.shape_cast %parallel_loop3A_679 : vector<1x16xf32> to vector<16xf32>
      %parallel_loop3A_681 = vector.shape_cast %parallel_loop3A_676 : vector<16xf32> to vector<1x16xf32>
      tpu.vector_store %arg12[%parallel_loop3A_677, %parallel_loop3A_678], %parallel_loop3A_681 {add = true, strides = array<i32>} : memref<128x128xf32, #tpu.memory_space<vmem>>, vector<1x16xf32>,
      %parallel_loop3A_682 = arith.index_cast %parallel_loop3A_611 : i32 to index
      %parallel_loop3A_683 = arith.constant 80 : index
      %parallel_loop3A_684 = tpu.vector_load %arg14[%parallel_loop3A_682, %parallel_loop3A_683] {strides = array<i32>} : memref<128x128xf32, #tpu.memory_space<vmem>>, vector<1x16xf32>,
      %parallel_loop3A_685 = vector.shape_cast %parallel_loop3A_684 : vector<1x16xf32> to vector<16xf32>
      %parallel_loop3A_686 = arith.index_cast %parallel_loop3A_611 : i32 to index
      %parallel_loop3A_687 = arith.constant 80 : index
      %parallel_loop3A_688 = tpu.vector_load %arg16[%parallel_loop3A_686, %parallel_loop3A_687] {strides = array<i32>} : memref<128x128xf32, #tpu.memory_space<vmem>>, vector<1x16xf32>,
      %parallel_loop3A_689 = vector.shape_cast %parallel_loop3A_688 : vector<1x16xf32> to vector<16xf32>
      %parallel_loop3A_690 = arith.addf %parallel_loop3A_685, %parallel_loop3A_689 : vector<16xf32>
      %parallel_loop3A_691 = arith.index_cast %parallel_loop3A_611 : i32 to index
      %parallel_loop3A_692 = arith.constant 80 : index
      %parallel_loop3A_693 = tpu.vector_load %arg12[%parallel_loop3A_691, %parallel_loop3A_692] {strides = array<i32>} : memref<128x128xf32, #tpu.memory_space<vmem>>, vector<1x16xf32>,
      %parallel_loop3A_694 = vector.shape_cast %parallel_loop3A_693 : vector<1x16xf32> to vector<16xf32>
      %parallel_loop3A_695 = vector.shape_cast %parallel_loop3A_690 : vector<16xf32> to vector<1x16xf32>
      tpu.vector_store %arg12[%parallel_loop3A_691, %parallel_loop3A_692], %parallel_loop3A_695 {add = true, strides = array<i32>} : memref<128x128xf32, #tpu.memory_space<vmem>>, vector<1x16xf32>,
      %parallel_loop3A_696 = arith.index_cast %parallel_loop3A_611 : i32 to index
      %parallel_loop3A_697 = arith.constant 96 : index
      %parallel_loop3A_698 = tpu.vector_load %arg14[%parallel_loop3A_696, %parallel_loop3A_697] {strides = array<i32>} : memref<128x128xf32, #tpu.memory_space<vmem>>, vector<1x16xf32>,
      %parallel_loop3A_699 = vector.shape_cast %parallel_loop3A_698 : vector<1x16xf32> to vector<16xf32>
      %parallel_loop3A_700 = arith.index_cast %parallel_loop3A_611 : i32 to index
      %parallel_loop3A_701 = arith.constant 96 : index
      %parallel_loop3A_702 = tpu.vector_load %arg16[%parallel_loop3A_700, %parallel_loop3A_701] {strides = array<i32>} : memref<128x128xf32, #tpu.memory_space<vmem>>, vector<1x16xf32>,
      %parallel_loop3A_703 = vector.shape_cast %parallel_loop3A_702 : vector<1x16xf32> to vector<16xf32>
      %parallel_loop3A_704 = arith.addf %parallel_loop3A_699, %parallel_loop3A_703 : vector<16xf32>
      %parallel_loop3A_705 = arith.index_cast %parallel_loop3A_611 : i32 to index
      %parallel_loop3A_706 = arith.constant 96 : index
      %parallel_loop3A_707 = tpu.vector_load %arg12[%parallel_loop3A_705, %parallel_loop3A_706] {strides = array<i32>} : memref<128x128xf32, #tpu.memory_space<vmem>>, vector<1x16xf32>,
      %parallel_loop3A_708 = vector.shape_cast %parallel_loop3A_707 : vector<1x16xf32> to vector<16xf32>
      %parallel_loop3A_709 = vector.shape_cast %parallel_loop3A_704 : vector<16xf32> to vector<1x16xf32>
      tpu.vector_store %arg12[%parallel_loop3A_705, %parallel_loop3A_706], %parallel_loop3A_709 {add = true, strides = array<i32>} : memref<128x128xf32, #tpu.memory_space<vmem>>, vector<1x16xf32>,
      %parallel_loop3A_710 = arith.index_cast %parallel_loop3A_611 : i32 to index
      %parallel_loop3A_711 = arith.constant 112 : index
      %parallel_loop3A_712 = tpu.vector_load %arg14[%parallel_loop3A_710, %parallel_loop3A_711] {strides = array<i32>} : memref<128x128xf32, #tpu.memory_space<vmem>>, vector<1x16xf32>,
      %parallel_loop3A_713 = vector.shape_cast %parallel_loop3A_712 : vector<1x16xf32> to vector<16xf32>
      %parallel_loop3A_714 = arith.index_cast %parallel_loop3A_611 : i32 to index
      %parallel_loop3A_715 = arith.constant 112 : index
      %parallel_loop3A_716 = tpu.vector_load %arg16[%parallel_loop3A_714, %parallel_loop3A_715] {strides = array<i32>} : memref<128x128xf32, #tpu.memory_space<vmem>>, vector<1x16xf32>,
      %parallel_loop3A_717 = vector.shape_cast %parallel_loop3A_716 : vector<1x16xf32> to vector<16xf32>
      %parallel_loop3A_718 = arith.addf %parallel_loop3A_713, %parallel_loop3A_717 : vector<16xf32>
      %parallel_loop3A_719 = arith.index_cast %parallel_loop3A_611 : i32 to index
      %parallel_loop3A_720 = arith.constant 112 : index
      %parallel_loop3A_721 = tpu.vector_load %arg12[%parallel_loop3A_719, %parallel_loop3A_720] {strides = array<i32>} : memref<128x128xf32, #tpu.memory_space<vmem>>, vector<1x16xf32>,
      %parallel_loop3A_722 = vector.shape_cast %parallel_loop3A_721 : vector<1x16xf32> to vector<16xf32>
      %parallel_loop3A_723 = vector.shape_cast %parallel_loop3A_718 : vector<16xf32> to vector<1x16xf32>
      tpu.vector_store %arg12[%parallel_loop3A_719, %parallel_loop3A_720], %parallel_loop3A_723 {add = true, strides = array<i32>} : memref<128x128xf32, #tpu.memory_space<vmem>>, vector<1x16xf32>,
    } {sc.loop_unroll_factor = 2 : i64, sc.parallel_access}
    %dma_start3A_560 = arith.constant 3 : i32
    %dma_start3A_561 = arith.constant 0 : i32
    %dma_start3A_562 = tpu.memref_slice %arg11[%dma_start3A_560, %dma_start3A_561] : memref<4x128xi32, #tpu.memory_space<vmem>> -> memref<1x128xi32, #tpu.memory_space<vmem>>
    %dma_start3A_563 = tpu.memref_squeeze %dma_start3A_562 : memref<1x128xi32, #tpu.memory_space<vmem>> -> memref<128xi32, #tpu.memory_space<vmem>>
    %dma_start3A_564 = arith.constant 0 : i32
    %dma_start3A_565 = arith.constant 0 : i32
    %dma_start3A_566 = tpu.memref_slice %arg18[%dma_start3A_564, %dma_start3A_565] : memref<64x128xf32, #tpu.memory_space<vmem_shared>> -> memref<64x128xf32, #tpu.memory_space<vmem_shared>>
    tpu.enqueue_indirect_dma source(%dma_start3A_566 : memref<64x128xf32, #tpu.memory_space<vmem_shared>>) target(%arg16 : memref<128x128xf32, #tpu.memory_space<vmem>>) offsets(%dma_start3A_563 : memref<128xi32, #tpu.memory_space<vmem>>) semaphore(%arg23 : memref<!tpu.dma_semaphore, #tpu.memory_space<semaphore_mem>>)
    %add3A_567 = arith.constant 256 : i32
    %add3A_568 = arith.addi %mul3A_2, %add3A_567 : i32
    %dma_start3A_569 = arith.constant 0 : i32
    %dma_start3A_570 = tpu.memref_slice %arg8[%add3A_568, %dma_start3A_569] : memref<16384x128xf32, #tpu.memory_space<hbm>> -> memref<128x128xf32, #tpu.memory_space<hbm>>
    %dma_start3A_571 = arith.constant 0 : i32
    %dma_start3A_572 = tpu.memref_slice %arg8[%add3A_568, %dma_start3A_571] : memref<16384x128xf32, #tpu.memory_space<hbm>> -> memref<128x128xf32, #tpu.memory_space<hbm>>
    tpu.enqueue_dma source(%arg12 : memref<128x128xf32, #tpu.memory_space<vmem>>) target(%dma_start3A_572 : memref<128x128xf32, #tpu.memory_space<hbm>>) target_semaphore(%arg24 : memref<!tpu.dma_semaphore, #tpu.memory_space<semaphore_mem>>)
    %dma_wait3A_573 = arith.constant 3 : i32
    %dma_wait3A_574 = arith.constant 0 : i32
    %dma_wait3A_575 = tpu.memref_slice %arg9[%dma_wait3A_573, %dma_wait3A_574] : memref<4x128xi32, #tpu.memory_space<vmem>> -> memref<1x128xi32, #tpu.memory_space<vmem>>
    %dma_wait3A_576 = tpu.memref_squeeze %dma_wait3A_575 : memref<1x128xi32, #tpu.memory_space<vmem>> -> memref<128xi32, #tpu.memory_space<vmem>>
    %dma_wait3A_577 = arith.constant 0 : i32
    %dma_wait3A_578 = arith.constant 0 : i32
    %dma_wait3A_579 = tpu.memref_slice %arg5[%dma_wait3A_577, %dma_wait3A_578] : memref<100000x128xf32, #tpu.memory_space<hbm>> -> memref<100000x128xf32, #tpu.memory_space<hbm>>
    tpu.wait_indirect_dma semaphore(%arg20 : memref<!tpu.dma_semaphore, #tpu.memory_space<semaphore_mem>>) src(%dma_wait3A_579 : memref<100000x128xf32, #tpu.memory_space<hbm>>) dst(%arg13 : memref<128x128xf32, #tpu.memory_space<vmem>>)
    %dma_wait3A_580 = arith.constant 3 : i32
    %dma_wait3A_581 = arith.constant 0 : i32
    %dma_wait3A_582 = tpu.memref_slice %arg10[%dma_wait3A_580, %dma_wait3A_581] : memref<4x128xi32, #tpu.memory_space<vmem>> -> memref<1x128xi32, #tpu.memory_space<vmem>>
    %dma_wait3A_583 = tpu.memref_squeeze %dma_wait3A_582 : memref<1x128xi32, #tpu.memory_space<vmem>> -> memref<128xi32, #tpu.memory_space<vmem>>
    %dma_wait3A_584 = arith.constant 0 : i32
    %dma_wait3A_585 = arith.constant 0 : i32
    %dma_wait3A_586 = tpu.memref_slice %arg17[%dma_wait3A_584, %dma_wait3A_585] : memref<4096x128xf32, #tpu.memory_space<vmem_shared>> -> memref<4096x128xf32, #tpu.memory_space<vmem_shared>>
    tpu.wait_indirect_dma semaphore(%arg22 : memref<!tpu.dma_semaphore, #tpu.memory_space<semaphore_mem>>) src(%dma_wait3A_586 : memref<4096x128xf32, #tpu.memory_space<vmem_shared>>) dst(%arg15 : memref<128x128xf32, #tpu.memory_space<vmem>>)
    %dma_wait3A_587 = arith.constant 3 : i32
    %dma_wait3A_588 = arith.constant 0 : i32
    %dma_wait3A_589 = tpu.memref_slice %arg11[%dma_wait3A_587, %dma_wait3A_588] : memref<4x128xi32, #tpu.memory_space<vmem>> -> memref<1x128xi32, #tpu.memory_space<vmem>>
    %dma_wait3A_590 = tpu.memref_squeeze %dma_wait3A_589 : memref<1x128xi32, #tpu.memory_space<vmem>> -> memref<128xi32, #tpu.memory_space<vmem>>
    %dma_wait3A_591 = arith.constant 0 : i32
    %dma_wait3A_592 = arith.constant 0 : i32
    %dma_wait3A_593 = tpu.memref_slice %arg18[%dma_wait3A_591, %dma_wait3A_592] : memref<64x128xf32, #tpu.memory_space<vmem_shared>> -> memref<64x128xf32, #tpu.memory_space<vmem_shared>>
    tpu.wait_indirect_dma semaphore(%arg23 : memref<!tpu.dma_semaphore, #tpu.memory_space<semaphore_mem>>) src(%dma_wait3A_593 : memref<64x128xf32, #tpu.memory_space<vmem_shared>>) dst(%arg16 : memref<128x128xf32, #tpu.memory_space<vmem>>)
    %parallel_loop3A_594 = arith.constant 0 : i32
    %parallel_loop3A_595 = arith.constant 128 : i32
    %parallel_loop3A_596 = arith.constant 1 : i32
    scf.for %parallel_loop3A_611 = %parallel_loop3A_594 to %parallel_loop3A_595 step %parallel_loop3A_596  : i32 {
      %parallel_loop3A_612 = arith.index_cast %parallel_loop3A_611 : i32 to index
      %parallel_loop3A_613 = arith.constant 0 : index
      %parallel_loop3A_614 = tpu.vector_load %arg15[%parallel_loop3A_612, %parallel_loop3A_613] {strides = array<i32>} : memref<128x128xf32, #tpu.memory_space<vmem>>, vector<1x16xf32>,
      %parallel_loop3A_615 = vector.shape_cast %parallel_loop3A_614 : vector<1x16xf32> to vector<16xf32>
      %parallel_loop3A_616 = arith.index_cast %parallel_loop3A_611 : i32 to index
      %parallel_loop3A_617 = arith.constant 0 : index
      %parallel_loop3A_618 = tpu.vector_load %arg16[%parallel_loop3A_616, %parallel_loop3A_617] {strides = array<i32>} : memref<128x128xf32, #tpu.memory_space<vmem>>, vector<1x16xf32>,
      %parallel_loop3A_619 = vector.shape_cast %parallel_loop3A_618 : vector<1x16xf32> to vector<16xf32>
      %parallel_loop3A_620 = arith.addf %parallel_loop3A_615, %parallel_loop3A_619 : vector<16xf32>
      %parallel_loop3A_621 = arith.index_cast %parallel_loop3A_611 : i32 to index
      %parallel_loop3A_622 = arith.constant 0 : index
      %parallel_loop3A_623 = tpu.vector_load %arg13[%parallel_loop3A_621, %parallel_loop3A_622] {strides = array<i32>} : memref<128x128xf32, #tpu.memory_space<vmem>>, vector<1x16xf32>,
      %parallel_loop3A_624 = vector.shape_cast %parallel_loop3A_623 : vector<1x16xf32> to vector<16xf32>
      %parallel_loop3A_625 = vector.shape_cast %parallel_loop3A_620 : vector<16xf32> to vector<1x16xf32>
      tpu.vector_store %arg13[%parallel_loop3A_621, %parallel_loop3A_622], %parallel_loop3A_625 {add = true, strides = array<i32>} : memref<128x128xf32, #tpu.memory_space<vmem>>, vector<1x16xf32>,
      %parallel_loop3A_626 = arith.index_cast %parallel_loop3A_611 : i32 to index
      %parallel_loop3A_627 = arith.constant 16 : index
      %parallel_loop3A_628 = tpu.vector_load %arg15[%parallel_loop3A_626, %parallel_loop3A_627] {strides = array<i32>} : memref<128x128xf32, #tpu.memory_space<vmem>>, vector<1x16xf32>,
      %parallel_loop3A_629 = vector.shape_cast %parallel_loop3A_628 : vector<1x16xf32> to vector<16xf32>
      %parallel_loop3A_630 = arith.index_cast %parallel_loop3A_611 : i32 to index
      %parallel_loop3A_631 = arith.constant 16 : index
      %parallel_loop3A_632 = tpu.vector_load %arg16[%parallel_loop3A_630, %parallel_loop3A_631] {strides = array<i32>} : memref<128x128xf32, #tpu.memory_space<vmem>>, vector<1x16xf32>,
      %parallel_loop3A_633 = vector.shape_cast %parallel_loop3A_632 : vector<1x16xf32> to vector<16xf32>
      %parallel_loop3A_634 = arith.addf %parallel_loop3A_629, %parallel_loop3A_633 : vector<16xf32>
      %parallel_loop3A_635 = arith.index_cast %parallel_loop3A_611 : i32 to index
      %parallel_loop3A_636 = arith.constant 16 : index
      %parallel_loop3A_637 = tpu.vector_load %arg13[%parallel_loop3A_635, %parallel_loop3A_636] {strides = array<i32>} : memref<128x128xf32, #tpu.memory_space<vmem>>, vector<1x16xf32>,
      %parallel_loop3A_638 = vector.shape_cast %parallel_loop3A_637 : vector<1x16xf32> to vector<16xf32>
      %parallel_loop3A_639 = vector.shape_cast %parallel_loop3A_634 : vector<16xf32> to vector<1x16xf32>
      tpu.vector_store %arg13[%parallel_loop3A_635, %parallel_loop3A_636], %parallel_loop3A_639 {add = true, strides = array<i32>} : memref<128x128xf32, #tpu.memory_space<vmem>>, vector<1x16xf32>,
      %parallel_loop3A_640 = arith.index_cast %parallel_loop3A_611 : i32 to index
      %parallel_loop3A_641 = arith.constant 32 : index
      %parallel_loop3A_642 = tpu.vector_load %arg15[%parallel_loop3A_640, %parallel_loop3A_641] {strides = array<i32>} : memref<128x128xf32, #tpu.memory_space<vmem>>, vector<1x16xf32>,
      %parallel_loop3A_643 = vector.shape_cast %parallel_loop3A_642 : vector<1x16xf32> to vector<16xf32>
      %parallel_loop3A_644 = arith.index_cast %parallel_loop3A_611 : i32 to index
      %parallel_loop3A_645 = arith.constant 32 : index
      %parallel_loop3A_646 = tpu.vector_load %arg16[%parallel_loop3A_644, %parallel_loop3A_645] {strides = array<i32>} : memref<128x128xf32, #tpu.memory_space<vmem>>, vector<1x16xf32>,
      %parallel_loop3A_647 = vector.shape_cast %parallel_loop3A_646 : vector<1x16xf32> to vector<16xf32>
      %parallel_loop3A_648 = arith.addf %parallel_loop3A_643, %parallel_loop3A_647 : vector<16xf32>
      %parallel_loop3A_649 = arith.index_cast %parallel_loop3A_611 : i32 to index
      %parallel_loop3A_650 = arith.constant 32 : index
      %parallel_loop3A_651 = tpu.vector_load %arg13[%parallel_loop3A_649, %parallel_loop3A_650] {strides = array<i32>} : memref<128x128xf32, #tpu.memory_space<vmem>>, vector<1x16xf32>,
      %parallel_loop3A_652 = vector.shape_cast %parallel_loop3A_651 : vector<1x16xf32> to vector<16xf32>
      %parallel_loop3A_653 = vector.shape_cast %parallel_loop3A_648 : vector<16xf32> to vector<1x16xf32>
      tpu.vector_store %arg13[%parallel_loop3A_649, %parallel_loop3A_650], %parallel_loop3A_653 {add = true, strides = array<i32>} : memref<128x128xf32, #tpu.memory_space<vmem>>, vector<1x16xf32>,
      %parallel_loop3A_654 = arith.index_cast %parallel_loop3A_611 : i32 to index
      %parallel_loop3A_655 = arith.constant 48 : index
      %parallel_loop3A_656 = tpu.vector_load %arg15[%parallel_loop3A_654, %parallel_loop3A_655] {strides = array<i32>} : memref<128x128xf32, #tpu.memory_space<vmem>>, vector<1x16xf32>,
      %parallel_loop3A_657 = vector.shape_cast %parallel_loop3A_656 : vector<1x16xf32> to vector<16xf32>
      %parallel_loop3A_658 = arith.index_cast %parallel_loop3A_611 : i32 to index
      %parallel_loop3A_659 = arith.constant 48 : index
      %parallel_loop3A_660 = tpu.vector_load %arg16[%parallel_loop3A_658, %parallel_loop3A_659] {strides = array<i32>} : memref<128x128xf32, #tpu.memory_space<vmem>>, vector<1x16xf32>,
      %parallel_loop3A_661 = vector.shape_cast %parallel_loop3A_660 : vector<1x16xf32> to vector<16xf32>
      %parallel_loop3A_662 = arith.addf %parallel_loop3A_657, %parallel_loop3A_661 : vector<16xf32>
      %parallel_loop3A_663 = arith.index_cast %parallel_loop3A_611 : i32 to index
      %parallel_loop3A_664 = arith.constant 48 : index
      %parallel_loop3A_665 = tpu.vector_load %arg13[%parallel_loop3A_663, %parallel_loop3A_664] {strides = array<i32>} : memref<128x128xf32, #tpu.memory_space<vmem>>, vector<1x16xf32>,
      %parallel_loop3A_666 = vector.shape_cast %parallel_loop3A_665 : vector<1x16xf32> to vector<16xf32>
      %parallel_loop3A_667 = vector.shape_cast %parallel_loop3A_662 : vector<16xf32> to vector<1x16xf32>
      tpu.vector_store %arg13[%parallel_loop3A_663, %parallel_loop3A_664], %parallel_loop3A_667 {add = true, strides = array<i32>} : memref<128x128xf32, #tpu.memory_space<vmem>>, vector<1x16xf32>,
      %parallel_loop3A_668 = arith.index_cast %parallel_loop3A_611 : i32 to index
      %parallel_loop3A_669 = arith.constant 64 : index
      %parallel_loop3A_670 = tpu.vector_load %arg15[%parallel_loop3A_668, %parallel_loop3A_669] {strides = array<i32>} : memref<128x128xf32, #tpu.memory_space<vmem>>, vector<1x16xf32>,
      %parallel_loop3A_671 = vector.shape_cast %parallel_loop3A_670 : vector<1x16xf32> to vector<16xf32>
      %parallel_loop3A_672 = arith.index_cast %parallel_loop3A_611 : i32 to index
      %parallel_loop3A_673 = arith.constant 64 : index
      %parallel_loop3A_674 = tpu.vector_load %arg16[%parallel_loop3A_672, %parallel_loop3A_673] {strides = array<i32>} : memref<128x128xf32, #tpu.memory_space<vmem>>, vector<1x16xf32>,
      %parallel_loop3A_675 = vector.shape_cast %parallel_loop3A_674 : vector<1x16xf32> to vector<16xf32>
      %parallel_loop3A_676 = arith.addf %parallel_loop3A_671, %parallel_loop3A_675 : vector<16xf32>
      %parallel_loop3A_677 = arith.index_cast %parallel_loop3A_611 : i32 to index
      %parallel_loop3A_678 = arith.constant 64 : index
      %parallel_loop3A_679 = tpu.vector_load %arg13[%parallel_loop3A_677, %parallel_loop3A_678] {strides = array<i32>} : memref<128x128xf32, #tpu.memory_space<vmem>>, vector<1x16xf32>,
      %parallel_loop3A_680 = vector.shape_cast %parallel_loop3A_679 : vector<1x16xf32> to vector<16xf32>
      %parallel_loop3A_681 = vector.shape_cast %parallel_loop3A_676 : vector<16xf32> to vector<1x16xf32>
      tpu.vector_store %arg13[%parallel_loop3A_677, %parallel_loop3A_678], %parallel_loop3A_681 {add = true, strides = array<i32>} : memref<128x128xf32, #tpu.memory_space<vmem>>, vector<1x16xf32>,
      %parallel_loop3A_682 = arith.index_cast %parallel_loop3A_611 : i32 to index
      %parallel_loop3A_683 = arith.constant 80 : index
      %parallel_loop3A_684 = tpu.vector_load %arg15[%parallel_loop3A_682, %parallel_loop3A_683] {strides = array<i32>} : memref<128x128xf32, #tpu.memory_space<vmem>>, vector<1x16xf32>,
      %parallel_loop3A_685 = vector.shape_cast %parallel_loop3A_684 : vector<1x16xf32> to vector<16xf32>
      %parallel_loop3A_686 = arith.index_cast %parallel_loop3A_611 : i32 to index
      %parallel_loop3A_687 = arith.constant 80 : index
      %parallel_loop3A_688 = tpu.vector_load %arg16[%parallel_loop3A_686, %parallel_loop3A_687] {strides = array<i32>} : memref<128x128xf32, #tpu.memory_space<vmem>>, vector<1x16xf32>,
      %parallel_loop3A_689 = vector.shape_cast %parallel_loop3A_688 : vector<1x16xf32> to vector<16xf32>
      %parallel_loop3A_690 = arith.addf %parallel_loop3A_685, %parallel_loop3A_689 : vector<16xf32>
      %parallel_loop3A_691 = arith.index_cast %parallel_loop3A_611 : i32 to index
      %parallel_loop3A_692 = arith.constant 80 : index
      %parallel_loop3A_693 = tpu.vector_load %arg13[%parallel_loop3A_691, %parallel_loop3A_692] {strides = array<i32>} : memref<128x128xf32, #tpu.memory_space<vmem>>, vector<1x16xf32>,
      %parallel_loop3A_694 = vector.shape_cast %parallel_loop3A_693 : vector<1x16xf32> to vector<16xf32>
      %parallel_loop3A_695 = vector.shape_cast %parallel_loop3A_690 : vector<16xf32> to vector<1x16xf32>
      tpu.vector_store %arg13[%parallel_loop3A_691, %parallel_loop3A_692], %parallel_loop3A_695 {add = true, strides = array<i32>} : memref<128x128xf32, #tpu.memory_space<vmem>>, vector<1x16xf32>,
      %parallel_loop3A_696 = arith.index_cast %parallel_loop3A_611 : i32 to index
      %parallel_loop3A_697 = arith.constant 96 : index
      %parallel_loop3A_698 = tpu.vector_load %arg15[%parallel_loop3A_696, %parallel_loop3A_697] {strides = array<i32>} : memref<128x128xf32, #tpu.memory_space<vmem>>, vector<1x16xf32>,
      %parallel_loop3A_699 = vector.shape_cast %parallel_loop3A_698 : vector<1x16xf32> to vector<16xf32>
      %parallel_loop3A_700 = arith.index_cast %parallel_loop3A_611 : i32 to index
      %parallel_loop3A_701 = arith.constant 96 : index
      %parallel_loop3A_702 = tpu.vector_load %arg16[%parallel_loop3A_700, %parallel_loop3A_701] {strides = array<i32>} : memref<128x128xf32, #tpu.memory_space<vmem>>, vector<1x16xf32>,
      %parallel_loop3A_703 = vector.shape_cast %parallel_loop3A_702 : vector<1x16xf32> to vector<16xf32>
      %parallel_loop3A_704 = arith.addf %parallel_loop3A_699, %parallel_loop3A_703 : vector<16xf32>
      %parallel_loop3A_705 = arith.index_cast %parallel_loop3A_611 : i32 to index
      %parallel_loop3A_706 = arith.constant 96 : index
      %parallel_loop3A_707 = tpu.vector_load %arg13[%parallel_loop3A_705, %parallel_loop3A_706] {strides = array<i32>} : memref<128x128xf32, #tpu.memory_space<vmem>>, vector<1x16xf32>,
      %parallel_loop3A_708 = vector.shape_cast %parallel_loop3A_707 : vector<1x16xf32> to vector<16xf32>
      %parallel_loop3A_709 = vector.shape_cast %parallel_loop3A_704 : vector<16xf32> to vector<1x16xf32>
      tpu.vector_store %arg13[%parallel_loop3A_705, %parallel_loop3A_706], %parallel_loop3A_709 {add = true, strides = array<i32>} : memref<128x128xf32, #tpu.memory_space<vmem>>, vector<1x16xf32>,
      %parallel_loop3A_710 = arith.index_cast %parallel_loop3A_611 : i32 to index
      %parallel_loop3A_711 = arith.constant 112 : index
      %parallel_loop3A_712 = tpu.vector_load %arg15[%parallel_loop3A_710, %parallel_loop3A_711] {strides = array<i32>} : memref<128x128xf32, #tpu.memory_space<vmem>>, vector<1x16xf32>,
      %parallel_loop3A_713 = vector.shape_cast %parallel_loop3A_712 : vector<1x16xf32> to vector<16xf32>
      %parallel_loop3A_714 = arith.index_cast %parallel_loop3A_611 : i32 to index
      %parallel_loop3A_715 = arith.constant 112 : index
      %parallel_loop3A_716 = tpu.vector_load %arg16[%parallel_loop3A_714, %parallel_loop3A_715] {strides = array<i32>} : memref<128x128xf32, #tpu.memory_space<vmem>>, vector<1x16xf32>,
      %parallel_loop3A_717 = vector.shape_cast %parallel_loop3A_716 : vector<1x16xf32> to vector<16xf32>
      %parallel_loop3A_718 = arith.addf %parallel_loop3A_713, %parallel_loop3A_717 : vector<16xf32>
      %parallel_loop3A_719 = arith.index_cast %parallel_loop3A_611 : i32 to index
      %parallel_loop3A_720 = arith.constant 112 : index
      %parallel_loop3A_721 = tpu.vector_load %arg13[%parallel_loop3A_719, %parallel_loop3A_720] {strides = array<i32>} : memref<128x128xf32, #tpu.memory_space<vmem>>, vector<1x16xf32>,
      %parallel_loop3A_722 = vector.shape_cast %parallel_loop3A_721 : vector<1x16xf32> to vector<16xf32>
      %parallel_loop3A_723 = vector.shape_cast %parallel_loop3A_718 : vector<16xf32> to vector<1x16xf32>
      tpu.vector_store %arg13[%parallel_loop3A_719, %parallel_loop3A_720], %parallel_loop3A_723 {add = true, strides = array<i32>} : memref<128x128xf32, #tpu.memory_space<vmem>>, vector<1x16xf32>,
    } {sc.loop_unroll_factor = 2 : i64, sc.parallel_access}
    %add3A_597 = arith.constant 384 : i32
    %add3A_598 = arith.addi %mul3A_2, %add3A_597 : i32
    %dma_start3A_599 = arith.constant 0 : i32
    %dma_start3A_600 = tpu.memref_slice %arg8[%add3A_598, %dma_start3A_599] : memref<16384x128xf32, #tpu.memory_space<hbm>> -> memref<128x128xf32, #tpu.memory_space<hbm>>
    %dma_start3A_601 = arith.constant 0 : i32
    %dma_start3A_602 = tpu.memref_slice %arg8[%add3A_598, %dma_start3A_601] : memref<16384x128xf32, #tpu.memory_space<hbm>> -> memref<128x128xf32, #tpu.memory_space<hbm>>
    tpu.enqueue_dma source(%arg13 : memref<128x128xf32, #tpu.memory_space<vmem>>) target(%dma_start3A_602 : memref<128x128xf32, #tpu.memory_space<hbm>>) target_semaphore(%arg25 : memref<!tpu.dma_semaphore, #tpu.memory_space<semaphore_mem>>)
    %dma_wait3A_603 = arith.constant 0 : i32
    %dma_wait3A_604 = tpu.memref_slice %arg8[%add3A_568, %dma_wait3A_603] : memref<16384x128xf32, #tpu.memory_space<hbm>> -> memref<128x128xf32, #tpu.memory_space<hbm>>
    %dma_wait3A_605 = arith.constant 0 : i32
    %dma_wait3A_606 = tpu.memref_slice %arg8[%add3A_568, %dma_wait3A_605] : memref<16384x128xf32, #tpu.memory_space<hbm>> -> memref<128x128xf32, #tpu.memory_space<hbm>>
    tpu.wait_dma2 semaphore(%arg24 : memref<!tpu.dma_semaphore, #tpu.memory_space<semaphore_mem>>) src(%arg12 : memref<128x128xf32, #tpu.memory_space<vmem>>) dst(%dma_wait3A_606 : memref<128x128xf32, #tpu.memory_space<hbm>>)
    %dma_wait3A_607 = arith.constant 0 : i32
    %dma_wait3A_608 = tpu.memref_slice %arg8[%add3A_598, %dma_wait3A_607] : memref<16384x128xf32, #tpu.memory_space<hbm>> -> memref<128x128xf32, #tpu.memory_space<hbm>>
    %dma_wait3A_609 = arith.constant 0 : i32
    %dma_wait3A_610 = tpu.memref_slice %arg8[%add3A_598, %dma_wait3A_609] : memref<16384x128xf32, #tpu.memory_space<hbm>> -> memref<128x128xf32, #tpu.memory_space<hbm>>
    tpu.wait_dma2 semaphore(%arg25 : memref<!tpu.dma_semaphore, #tpu.memory_space<semaphore_mem>>) src(%arg13 : memref<128x128xf32, #tpu.memory_space<vmem>>) dst(%dma_wait3A_610 : memref<128x128xf32, #tpu.memory_space<hbm>>)
    return
  }
}

</mosaic_0001>

<sc_bundles>
// kernel: kernel.3.cloned.1.call-start
scs
__scs_entry_jumppad:
0x0: {  	(pc) =	sbr.rel $0x88, $3  }
0x1: {  	(tag) =	ssettag $0x0;
	lr =	simm.s32 $0x1  }
0x2: {  	[smem:$0x3F9B] =	sst lr;
	_ =	strace $0xD0000000  }
0x3: {  	_ = 	snop  }
0x4: {  	_ = 	snop  }
0x5: {  	_ = 	snop  }
0x6: {  	_ = 	snop  }
0x7: {  	_ = 	snop  }
__scs_overlays_trampoline_lowered:
0x8: {  	[smem:$0x3FAA] =	sst s0  }
0x9: {  	[smem:$0x3FAB] =	sst s1  }
0xa: {  	[smem:$0x3FAC] =	sst s2  }
0xb: {  	[smem:$0x3FAD] =	sst s3  }
0xc: {  	[smem:$0x3FAE] =	sst s4  }
0xd: {  	[smem:$0x3FAF] =	sst s5  }
0xe: {  	[smem:$0x3FB0] =	sst s6  }
0xf: {  	[smem:$0x3FB1] =	sst s7  }
0x10: {  	[smem:$0x3FB2] =	sst s8  }
0x11: {  	[smem:$0x3FB3] =	sst s9;
	s0 =	simm.s32 @!p0 $0x0  }
0x12: {  	s1 =	sld [smem:$0x3F99];
	s0 =	simm.s32 @p0 $0x1  }
0x13: {  	[smem:$0x3FB4] =	sst s0;
	s0 =	simm.s32 @!p1 $0x0  }
0x14: {  	s2 =	sld [smem:$0x3F98];
	s0 =	simm.s32 @p1 $0x1  }
0x15: {  	[smem:$0x3FB5] =	sst s0;
	s0 =	simm.s32 @!p2 $0x0  }
0x16: {  	s3 =	sld [smem:$0x3FDB];
	s0 =	simm.s32 @p2 $0x1  }
0x17: {  	s4 =	simm.s32 $0x1BF5;
	[smem:$0x3FB7] =	sst s0  }
0x18: {  	s0 =	sld [smem:$0x3F9A];
	_ =	swait.ge [sflag:s4], $0x0  }
0x19: {  	s7 =	sld [smem:$0x3F9B]  }
0x1a: {  	s8 =	sadd.s32 $0xFFFFE003, lr  }
0x1b: {  	s9 =	sadd.s32 $0xFFFFFEF7, lr;
	s5 =	simm.s32 $0xFFFFFFFF;
	p2 =	slt.u32 s8, $0xFFFFF086  }
0x1c: {  	p1 =	slt.u32 s9, $0xF7A;
	s5 =	simm.s32 @!p2 $0x0  }
0x1d: {  	s5 =	simm.s32 @p1 $0x1;
	p0 =	seq.s32 s7, s2  }
0x1e: {  	s7 =	smul.u32 @!p0 $0xF7A, s2;
	p2 =	seq.s32 @!p0 s5, $0x0  }
0x1f: {  	s9 =	smul.u32 $0xF7A, s1;
	s8 =	simm.s32 @!p0 $0x1BF5;
	p2 =	por !p2, p0  }
0x20: {  	[sflag:s8] =	ssyncset.s32 @!p0 $0xFFFFF086;
	s6 =	sadd.s32 @!p0 s3, s7;
	s7 =	simm.s32 @!p0 $0x108  }
0x21: {  	s3 =	sadd.s32 s3, s9;
	s6 =	sadd.s32 @!p0 $0x88, s6;
	s7 =	simm.s32 @p2 $0x1082  }
0x22: {  	[simem:s7], [sflag:s8] =	dma.local @!p0 [hbm:s6], $0xF7A  }
0x23: {  	s9 =	sor.u32 $0xD0000000, s2;
	s6 =	simm.s32 $0x108;
	_ =	swait.ge @!p0 [sflag:s8], $0x0  }
0x24: {  	s3 =	sadd.s32 $0x88, s3;
	s6 =	simm.s32 @!p1 $0x1082;
	[sflag:s4] =	ssyncset.s32 $0xFFFFF086  }
0x25: {  	[simem:s6], [sflag:s4] =	dma.local [hbm:s3], $0xF7A  }
0x26: {  	[smem:$0x3F9B] =	sst s1;
	(tag) =	ssettag s2;
	_ =	strace s9  }
0x27: {  	s1 =	sld [smem:$0x3FAB]  }
0x28: {  	s2 =	sld [smem:$0x3FAC]  }
0x29: {  	s4 =	sld [smem:$0x3FAE]  }
0x2a: {  	p0 =	seq.s32 s5, $0x0;
	s5 =	sld [smem:$0x3FAF]  }
0x2b: {  	s6 =	sld [smem:$0x3FB0]  }
0x2c: {  	s7 =	sld [smem:$0x3FB1]  }
0x2d: {  	s3 =	simm.s32 $0x108;
	s8 =	sld [smem:$0x3FB2]  }
0x2e: {  	s3 =	simm.s32 @!p0 $0x1082;
	s9 =	sld [smem:$0x3FB3]  }
0x2f: {  	lr =	sadd.s32 s0, s3;
	s0 =	sld [smem:$0x3FAA]  }
0x30: {  	s3 =	sld [smem:$0x3FAD]  }
0x31: {  	[smem:$0x3FB6] =	sst s10  }
0x32: {  	s10 =	sld [smem:$0x3FB4];
	_ =	sdelay $0x3  }
0x33: {  	p0 =	seq.s32 s10, $0x1;
	s10 =	sld [smem:$0x3FB6];
	_ =	sdelay $0x3  }
0x34: {  	[smem:$0x3FB6] =	sst s10  }
0x35: {  	s10 =	sld [smem:$0x3FB5];
	_ =	sdelay $0x3  }
0x36: {  	p1 =	seq.s32 s10, $0x1;
	s10 =	sld [smem:$0x3FB6];
	_ =	sdelay $0x3  }
0x37: {  	[smem:$0x3FB6] =	sst s10  }
0x38: {  	s10 =	sld [smem:$0x3FB7]  }
0x39: {  	_ = 	snop;
	(pc) =	sbr.ind lr, $3  }
0x3a: {  	_ = 	snop  }
0x3b: {  	_ = 	snop  }
0x3c: {  	p2 =	seq.s32 s10, $0x1;
	s10 =	sld [smem:$0x3FB6]  }
0x3d: {  	_ =	shalt  }
0x3e: {  	_ =	shalt  }
0x3f: {  	_ =	shalt  }
0x40: {  	_ =	shalt  }
0x41: {  	_ =	shalt  }
0x42: {  	_ =	shalt  }
0x43: {  	_ =	shalt  }
0x44: {  	_ =	shalt  }
0x45: {  	_ =	shalt  }
0x46: {  	_ =	shalt  }
0x47: {  	_ =	shalt  }
0x48: {  	_ =	shalt  }
0x49: {  	_ =	shalt  }
0x4a: {  	_ =	shalt  }
0x4b: {  	_ =	shalt  }
0x4c: {  	_ =	shalt  }
0x4d: {  	_ =	shalt  }
0x4e: {  	_ =	shalt  }
0x4f: {  	_ =	shalt  }
0x50: {  	_ =	shalt  }
0x51: {  	_ =	shalt  }
0x52: {  	_ =	shalt  }
0x53: {  	_ =	shalt  }
0x54: {  	_ =	shalt  }
0x55: {  	_ =	shalt  }
0x56: {  	_ =	shalt  }
0x57: {  	_ =	shalt  }
0x58: {  	_ =	shalt  }
0x59: {  	_ =	shalt  }
0x5a: {  	_ =	shalt  }
0x5b: {  	_ =	shalt  }
0x5c: {  	_ =	shalt  }
0x5d: {  	_ =	shalt  }
0x5e: {  	_ =	shalt  }
0x5f: {  	_ =	shalt  }
0x60: {  	_ =	shalt  }
0x61: {  	_ =	shalt  }
0x62: {  	_ =	shalt  }
0x63: {  	_ =	shalt  }
0x64: {  	_ =	shalt  }
0x65: {  	_ =	shalt  }
0x66: {  	_ =	shalt  }
0x67: {  	_ =	shalt  }
0x68: {  	_ =	shalt  }
0x69: {  	_ =	shalt  }
0x6a: {  	_ =	shalt  }
0x6b: {  	_ =	shalt  }
0x6c: {  	_ =	shalt  }
0x6d: {  	_ =	shalt  }
0x6e: {  	_ =	shalt  }
0x6f: {  	_ =	shalt  }
0x70: {  	_ =	shalt  }
0x71: {  	_ =	shalt  }
0x72: {  	_ =	shalt  }
0x73: {  	_ =	shalt  }
0x74: {  	_ =	shalt  }
0x75: {  	_ =	shalt  }
0x76: {  	_ =	shalt  }
0x77: {  	_ =	shalt  }
0x78: {  	_ =	shalt  }
0x79: {  	_ =	shalt  }
0x7a: {  	_ =	shalt  }
0x7b: {  	_ =	shalt  }
0x7c: {  	_ =	shalt  }
0x7d: {  	_ =	shalt  }
0x7e: {  	_ =	shalt  }
0x7f: {  	_ =	shalt  }
0x80: {  	_ =	shalt  }
0x81: {  	_ =	shalt  }
0x82: {  	_ =	shalt  }
0x83: {  	_ =	shalt  }
0x84: {  	_ =	shalt  }
0x85: {  	_ =	shalt  }
0x86: {  	_ =	shalt  }
0x87: {  	_ =	shalt  }
.Lfunc_end0:
.L_simem_size_0:
called_computation_lowered:
.L_overlay_start_0:
0x88: {  	s2 =	sld [smem:$0x3FD9]  }
0x89: {  	s3 =	sld [smem:$0x3FFE];
	_ =	sdelay $0x1  }
0x8a: {  	s1 =	srdreg.scid  }
0x8b: {  	s0 =	sand.u32 $0x1, s1  }
0x8c: {  	s17 =	sshll.u32 s0, $0xA;
	s2 =	sadd.s32 s3, s2  }
0x8d: {  	s2 =	sadd.s32 s2, s17  }
0x8e: {  	[smem:$0x3FC2] =	sst s2  }
0x8f: {  	_ = 	snop  }
0x90: {  	s2 =	sld [smem:$0x3FC6]  }
0x91: {  	s18 =	sld [smem:$0x3FC5]  }
0x92: {  	s4 =	sld [smem:$0x3FC4]  }
0x93: {  	s5 =	sld [smem:$0x3FD0];
	(tm) =	ssettm $0x1  }
0x94: {  	s6 =	sld [smem:$0x3FFB];
	_ =	sdelay $0x3  }
0x95: {  	_ =	strace s6  }
0x96: {  	s6 =	sld [smem:$0x3FFC];
	_ =	sdelay $0x3  }
0x97: {  	_ =	strace s6  }
0x98: {  	s6 =	sld [smem:$0x3FFD];
	_ =	sdelay $0x3  }
0x99: {  	_ =	strace s6  }
0x9a: {  	_ =	strace $0x8FFFFFFF  }
0x9b: {  	s19 =	sld [smem:$0x3FDB];
	_ =	sdelay $0x1  }
0x9c: {  	s7 =	simm.s32 $_scs_section_size  }
0x9d: {  	s8 =	simm.s32 $_size__tile_overlayer_lowered;
	s9 =	simm.s32 $_tile_overlayer_lowered  }
0x9e: {  	s22 =	simm.s32 $0x1BFF;
	s21 =	sshll.u32 s9, $0x1;
	s6 =	sadd.s32 s7, s19  }
0x9f: {  	s10 =	simm.s32 $0x0;
	s20 =	sshll.u32 s8, $0x1;
	s8 =	sadd.s32 s21, s6  }
0xa0: {  	[timem:s10], [sflag:s22] =	dma.local [hbm:s8], s20  }
0xa1: {  	_ =	swait.ge [sflag:s22], s20  }
0xa2: {  	s7 =	ssub.s32 $0x0, s20;
	[sflag:s22] =	ssyncset.done $0x0  }
0xa3: {  	[sflag:s22] =	ssyncadd.s32 s7;
	_ =	sdelay $0x1  }
0xa4: {  	s23 =	simm.s32 $0x1B8B  }
0xa5: {  	_ =	swait.ge [sflag:s23], $0x1  }
0xa6: {  	[sflag:s23] =	ssyncset.done $0x0  }
0xa7: {  	s25 =	simm.s32 $0x1B8E;
	s24 =	sld [smem:$0x3FFE];
	[sflag:s23] =	ssyncadd.s32 $0xFFFFFFFF  }
0xa8: {  	s26 =	simm.s32 $execute0_lowered;
	[smem:$0x3FD2] =	sst s25  }
0xa9: {  	s8 =	sshll.u32 s26, $0x1;
	_ =	strace $0x80000046;
	[dreg:$0x1] =	wrdreg $0xFFFFFFFF  }
0xaa: {  	s28 =	simm.s32 $_size_execute0_lowered;
	s6 =	sadd.s32 s6, s8;
	[dreg:$0x0] =	wrdreg $0x0  }
0xab: {  	s8 =	sshll.u32 s28, $0x1;
	[dreg:$0x2] =	wrdreg s6  }
0xac: {  	[dreg:$0x3] =	wrdreg s8  }
0xad: {  	[dreg:$0x4] =	wrdreg $0xC0  }
0xae: {  	_ =	task [dreg:s10], $0x5FFFF  }
0xaf: {  	[dreg:$0x1] =	wrdreg $0xFFFFFFFF  }
0xb0: {  	[dreg:$0x0] =	wrdreg $0x60  }
0xb1: {  	[dreg:$0x2] =	wrdreg s24  }
0xb2: {  	[dreg:$0x3] =	wrdreg s2  }
0xb3: {  	[dreg:$0x4] =	wrdreg s18  }
0xb4: {  	[dreg:$0x5] =	wrdreg s4  }
0xb5: {  	[dreg:$0x6] =	wrdreg s5  }
0xb6: {  	[dreg:$0x7] =	wrdreg $0x146000  }
0xb7: {  	[dreg:$0x8] =	wrdreg $0x1C6000  }
0xb8: {  	[dreg:$0x9] =	wrdreg $0x9  }
0xb9: {  	_ =	task.clear_ibuf [dreg:s10], $0xAFFFF;
	_ =	strace $0x90000046  }
0xba: {  	s29 =	simm.s32 $0x9;
	_ =	strace $0x80000048  }
0xbb: {  	_ =	swait.ge [sflag:s29], $0x1  }
0xbc: {  	[sflag:s29] =	ssyncadd.s32 $0xFFFFFFFF  }
0xbd: {  	_ =	strace $0x90000048  }
0xbe: {  	_ =	sfence  }
0xbf: {  	s30 =	sld [smem:$0x0];
	_ =	sdelay $0x2  }
0xc0: {  	s31 =	sshll.u32 s1, $0xD;
	s1 =	sshrl.u32 s1, $0x2  }
0xc1: {  	s3 =	sand.u32 $0x4000, s31;
	s1 =	sadd.s32 s1, s30  }
0xc2: {  	s0 =	sor.u32 s3, s0;
	s1 =	sshll.u32 s1, $0x11  }
0xc3: {  	s0 =	sor.u32 s1, s0  }
0xc4: {  	s0 =	sadd.s32 $0x8F2B, s0  }
0xc5: {  	[sflag:s0] =	ssyncadd.remote.s32 $0x1  }
0xc6: {  	_ =	sfence.sel $0xFFFF  }
0xc7: {  	[dreg:$0x0] =	wrdreg $0xFFFFFFFF;
	(pc) =	sbr.abs _section_cstart, $3  }
0xc8: {  	[dreg:$0x1] =	wrdreg $0xFFFFFFFF  }
0xc9: {  	_ =	task.clear_ibuf [dreg:s10], $0x2FFFF;
	_ =	strace $0x9FFFFFFF  }
0xca: {  	(tm) =	ssettm $0x7FFFFFFF  }
0xcb: {  	_ =	shalt  }
tec
execute0_lowered:
.L_overlay_start_1:
0x0: {  	(tag) =	ssettag $0x1  }
0x1: {  	s1 =	rddreg [dreg:$0x0]  }
0x2: {  	s0 =	rddreg [dreg:$0x1]  }
0x3: {  	s2 =	rddreg [dreg:$0x2]  }
0x4: {  	s3 =	rddreg [dreg:$0x4]  }
0x5: {  	s4 =	rddreg [dreg:$0x5]  }
0x6: {  	s6 =	srdreg.scid;
	s5 =	rddreg [dreg:$0x6]  }
0x7: {  	s17 =	stileid.u32;
	s19 =	simm.s32 $0x80;
	s20 =	simm.s32 $0x600  }
0x8: {  	s21 =	simm.s32 $0x4600;
	s28 =	simm.s32 $0xC600;
	s29 =	simm.s32 $0x10600  }
0x9: {  	s30 =	simm.s32 $0x1;
	s31 =	simm.s32 $0x3;
	s7 =	sand.u32 $0x1, s6  }
0xa: {  	s8 =	sshll.u32 s17, $0xA;
	s6 =	simm.s32 $0x0;
	s24 =	sshll.u32 s17, $0xF  }
0xb: {  	s15 =	sshll.u32 s17, $0xC;
	s16 =	sshll.u32 s17, $0x9;
	s18 =	sshll.u32 s17, $0x2  }
0xc: {  	s26 =	sshll.u32 s17, $0x6;
	s9 =	sshll.u32 s7, $0x9;
	s7 =	ssub.s32 $0x2, s7  }
0xd: {  	[smem:$0x7FF] =	sst s6;
	s25 =	sadd.s32 s24, s4;
	s22 =	sor.u32 $0x1C08, s26  }
0xe: {  	s26 =	simm.s32 $0x2;
	s8 =	sor.u32 s9, s8;
	s10 =	sshrl.u32 s7, $0x1  }
0xf: {  	_ =	strace $0x80000047;
	s9 =	sshrl.u32 s8, $0x3;
	s7 =	ssub.s32 s7, s10  }
0x10: {  	s10 =	sadd.s32 s2, s15;
	s8 =	sshll.u32 s8, $0x4;
	s2 =	sadd.s32 s16, s5  }
0x11: {  	s16 =	simm.s32 $0x8;
	s1 =	sadd.s32 s9, s1;
	s11 =	sadd.s32 s3, s8  }
0x12: {  	s15 =	smax.u32 s7, $0x1;
	s24 =	sshrl.u32 s2, $0x3;
	s2 =	simm.s32 $0x5  }
0x13: {  	s3 =	simm.s32 $0x4;
	s7 =	simm.s32 $0x7;
	s9 =	sadd.s32 $0x400, s1  }
0x14: {  	s8 =	simm.s32 $0x0;
	s23 =	sadd.s32 $0x1400, s1;
	[dreg:$0x8] =	wrdreg s9  }
0x15: {  	s1 =	sadd.s32 $0xC00, s1;
	s12 =	sadd.s32 $0x800, s11;
	[dreg:$0x9] =	wrdreg s23  }
0x16: {  	s13 =	sadd.s32 $0x1000, s11;
	s14 =	sadd.s32 $0x1800, s11;
	[dreg:$0xa] =	wrdreg s1  }
0x17: {  	v0 =	vmov s18;
	s23 =	sshrl.u32 s25, $0x3;
	s25 =	simm.s32 $0x8600;
	s1 =	simm.s32 $0x6  }
.LBB2_1:
0x18: {  	s9 =	rddreg [dreg:$0x8]  }
0x19: {  	[tilespmem:s6], [sflag:$0x8] =	stream.linear.gather [hbm4b:s9+s6], $0x200, $0x38;
	[tilespmem:$0x1C800] =	vst v63  }
0x1a: {  	_ =	swait.ge [sflag:s16], $0x200  }
0x1b: {  	[sflag:s16] =	ssyncset.done $0x0  }
0x1c: {  	s17 =	simm.s32 $0x200;
	s18 =	rddreg [dreg:$0x9];
	[sflag:s16] =	ssyncadd.s32 $0xFFFFFE00  }
0x1d: {  	[tilespmem:s17], [sflag:$0x8] =	stream.linear.gather [hbm4b:s18+s6], $0x200, $0x38;
	[tilespmem:$0x1C800] =	vst v63  }
0x1e: {  	_ =	swait.ge [sflag:s16], $0x200  }
0x1f: {  	[sflag:s16] =	ssyncset.done $0x0  }
0x20: {  	s18 =	simm.s32 $0x400;
	s9 =	rddreg [dreg:$0xa];
	[sflag:s16] =	ssyncadd.s32 $0xFFFFFE00  }
0x21: {  	[tilespmem:s18], [sflag:$0x8] =	stream.linear.gather [hbm4b:s9+s6], $0x200, $0x38;
	[tilespmem:$0x1C800] =	vst v63  }
0x22: {  	_ =	swait.ge [sflag:s16], $0x200  }
0x23: {  	[sflag:s16] =	ssyncset.done $0x0  }
0x24: {  	[sflag:s16] =	ssyncadd.s32 $0xFFFFFE00  }
0x25: {  	[tilespmem:s20], [sflag:$0x1] =	stream.indirect.gather [hbm4b:s0+s19], $0x80, s6, s19, $0xb8;
	[tilespmem:$0x1C800] =	vst v63  }
0x26: {  	_ = 	snop  }
0x27: {  	[tilespmem:s21], [sflag:$0x2] =	stream.indirect.gather [hbm4b:s0+s19], $0x80, s19, s19, $0xb8;
	[tilespmem:$0x1C800] =	vst v63  }
0x28: {  	[spmem:s23], [sflag:s22] =	dma.local [hbm:s10], $0x1000  }
0x29: {  	_ =	swait.ge [sflag:s16], $0x1000  }
0x2a: {  	[sflag:s16] =	ssyncset.done $0x0  }
0x2b: {  	[sflag:s16] =	ssyncadd.s32 $0xFFFFF000  }
0x2c: {  	s9 =	rddreg [dreg:$0x3]  }
0x2d: {  	[spmem:s24], [sflag:s22] =	dma.local [hbm:s9], $0x40  }
0x2e: {  	_ =	swait.ge [sflag:s16], $0x40  }
0x2f: {  	[sflag:s16] =	ssyncset.done $0x0  }
0x30: {  	[sflag:s16] =	ssyncadd.s32 $0xFFFFFFC0  }
0x31: {  	v1 =	vld [tilespmem:$0x400]  }
0x32: {  	v2 =	vld [tilespmem:$0x410]  }
0x33: {  	v3 =	vld [tilespmem:$0x420]  }
0x34: {  	v4 =	vld [tilespmem:$0x430]  }
0x35: {  	v5 =	vld [tilespmem:$0x440]  }
0x36: {  	v6 =	vld [tilespmem:$0x450];
	v1 =	vadd.s32 v0, v1  }
0x37: {  	[tilespmem:$0x400] =	vst v1;
	v1 =	vadd.s32 v0, v2;
	v2 =	vld [tilespmem:$0x460]  }
0x38: {  	[tilespmem:$0x410] =	vst v1;
	v1 =	vadd.s32 v0, v3;
	v3 =	vld [tilespmem:$0x470]  }
0x39: {  	v34 =	vld [tilespmem:$0x480];
	[tilespmem:$0x420] =	vst v1;
	v1 =	vadd.s32 v0, v4  }
0x3a: {  	v35 =	vld [tilespmem:$0x490];
	[tilespmem:$0x430] =	vst v1;
	v1 =	vadd.s32 v0, v5  }
0x3b: {  	v36 =	vld [tilespmem:$0x4A0];
	[tilespmem:$0x440] =	vst v1;
	v1 =	vadd.s32 v0, v6  }
0x3c: {  	[tilespmem:$0x450] =	vst v1;
	v1 =	vadd.s32 v0, v2;
	v2 =	vld [tilespmem:$0x4B0]  }
0x3d: {  	[tilespmem:$0x460] =	vst v1;
	v1 =	vadd.s32 v0, v3;
	v3 =	vld [tilespmem:$0x4C0]  }
0x3e: {  	v37 =	vld [tilespmem:$0x4D0];
	[tilespmem:$0x470] =	vst v1;
	v1 =	vadd.s32 v0, v34  }
0x3f: {  	v38 =	vld [tilespmem:$0x4E0];
	[tilespmem:$0x480] =	vst v1;
	v1 =	vadd.s32 v0, v35  }
0x40: {  	v39 =	vld [tilespmem:$0x4F0];
	[tilespmem:$0x490] =	vst v1;
	v1 =	vadd.s32 v0, v36  }
0x41: {  	[tilespmem:$0x4A0] =	vst v1;
	v1 =	vadd.s32 v0, v2;
	v2 =	vld [tilespmem:$0x500]  }
0x42: {  	[tilespmem:$0x4B0] =	vst v1;
	v1 =	vadd.s32 v0, v3;
	v3 =	vld [tilespmem:$0x510]  }
0x43: {  	v40 =	vld [tilespmem:$0x520];
	[tilespmem:$0x4C0] =	vst v1;
	v1 =	vadd.s32 v0, v37  }
0x44: {  	v41 =	vld [tilespmem:$0x530];
	[tilespmem:$0x4D0] =	vst v1;
	v1 =	vadd.s32 v0, v38  }
0x45: {  	v42 =	vld [tilespmem:$0x540];
	[tilespmem:$0x4E0] =	vst v1;
	v1 =	vadd.s32 v0, v39  }
0x46: {  	[tilespmem:$0x4F0] =	vst v1;
	v1 =	vadd.s32 v0, v2;
	v2 =	vld [tilespmem:$0x550]  }
0x47: {  	[tilespmem:$0x500] =	vst v1;
	v1 =	vadd.s32 v0, v3;
	v3 =	vld [tilespmem:$0x560]  }
0x48: {  	v43 =	vld [tilespmem:$0x570];
	[tilespmem:$0x510] =	vst v1;
	v1 =	vadd.s32 v0, v40  }
0x49: {  	v44 =	vld [tilespmem:$0x580];
	[tilespmem:$0x520] =	vst v1;
	v1 =	vadd.s32 v0, v41  }
0x4a: {  	v45 =	vld [tilespmem:$0x590];
	[tilespmem:$0x530] =	vst v1;
	v1 =	vadd.s32 v0, v42  }
0x4b: {  	[tilespmem:$0x540] =	vst v1;
	v1 =	vadd.s32 v0, v2;
	v2 =	vld [tilespmem:$0x5A0]  }
0x4c: {  	[tilespmem:$0x550] =	vst v1;
	v1 =	vadd.s32 v0, v3;
	v3 =	vld [tilespmem:$0x5B0]  }
0x4d: {  	v46 =	vld [tilespmem:$0x5C0];
	[tilespmem:$0x560] =	vst v1;
	v1 =	vadd.s32 v0, v43  }
0x4e: {  	v47 =	vld [tilespmem:$0x5D0];
	[tilespmem:$0x570] =	vst v1;
	v1 =	vadd.s32 v0, v44  }
0x4f: {  	v48 =	vld [tilespmem:$0x5E0];
	[tilespmem:$0x580] =	vst v1;
	v1 =	vadd.s32 v0, v45  }
0x50: {  	[tilespmem:$0x590] =	vst v1;
	v1 =	vadd.s32 v0, v2;
	v2 =	vld [tilespmem:$0x5F0]  }
0x51: {  	[tilespmem:$0x5A0] =	vst v1;
	v1 =	vadd.s32 v0, v3  }
0x52: {  	[tilespmem:$0x5B0] =	vst v1;
	v1 =	vadd.s32 v0, v46  }
0x53: {  	[tilespmem:$0x5C0] =	vst v1;
	v1 =	vadd.s32 v0, v47  }
0x54: {  	[tilespmem:$0x5D0] =	vst v1;
	v1 =	vadd.s32 v0, v48  }
0x55: {  	[tilespmem:$0x5E0] =	vst v1;
	v1 =	vadd.s32 v0, v2  }
0x56: {  	[tilespmem:$0x5F0] =	vst v1  }
0x57: {  	[bflag:$0x0] =	sbarrier.arrive $0xFFFF  }
0x58: {  	[tilespmem:s25], [sflag:$0x3] =	stream.indirect.gather [spmem:s4], $0x80, s17, s19, $0xb8;
	[tilespmem:$0x1C800] =	vst v63  }
0x59: {  	s17 =	simm.s32 $0x280  }
0x5a: {  	[tilespmem:s28], [sflag:$0x4] =	stream.indirect.gather [spmem:s4], $0x80, s17, s19, $0xb8;
	[tilespmem:$0x1C800] =	vst v63  }
0x5b: {  	_ = 	snop  }
0x5c: {  	[tilespmem:s29], [sflag:$0x5] =	stream.indirect.gather [spmem:s5], $0x80, s18, s19, $0xb8;
	[tilespmem:$0x1C800] =	vst v63  }
0x5d: {  	_ =	swait.ge [sflag:s30], $0x4000  }
0x5e: {  	[sflag:s30] =	ssyncset.done $0x0  }
0x5f: {  	[sflag:s30] =	ssyncadd.s32 $0xFFFFC000  }
0x60: {  	_ =	swait.ge [sflag:s31], $0x4000  }
0x61: {  	[sflag:s31] =	ssyncset.done $0x0  }
0x62: {  	[sflag:s31] =	ssyncadd.s32 $0xFFFFC000  }
0x63: {  	_ =	swait.ge [sflag:s2], $0x4000  }
0x64: {  	[sflag:s2] =	ssyncset.done $0x0  }
0x65: {  	s17 =	simm.s32 $0x0;
	[sflag:s2] =	ssyncadd.s32 $0xFFFFC000  }
0x66: {  	v1 =	vld [tilespmem:s17+$0x86F0]  }
0x67: {  	v2 =	vld [tilespmem:s17+$0x106F0]  }
0x68: {  	v3 =	vld [tilespmem:s17+$0x8600]  }
0x69: {  	v49 =	vld [tilespmem:s17+$0x10600]  }
0x6a: {  	v50 =	vld [tilespmem:s17+$0x8610]  }
0x6b: {  	v51 =	vld [tilespmem:s17+$0x10610]  }
0x6c: {  	v7 =	vld [tilespmem:s17+$0x8620]  }
0x6d: {  	v8 =	vld [tilespmem:s17+$0x10630]  }
0x6e: {  	v9 =	vld [tilespmem:s17+$0x8640]  }
0x6f: {  	v10 =	vld [tilespmem:s17+$0x10640]  }
0x70: {  	v11 =	vld [tilespmem:s17+$0x8650]  }
0x71: {  	v12 =	vld [tilespmem:s17+$0x10650]  }
0x72: {  	v13 =	vld [tilespmem:s17+$0x8660]  }
0x73: {  	v14 =	vld [tilespmem:s17+$0x10660]  }
0x74: {  	v15 =	vld [tilespmem:s17+$0x8670]  }
0x75: {  	v16 =	vld [tilespmem:s17+$0x10670]  }
0x76: {  	v17 =	vld [tilespmem:s17+$0x8680]  }
0x77: {  	v18 =	vld [tilespmem:s17+$0x10680]  }
0x78: {  	v19 =	vld [tilespmem:s17+$0x8690]  }
0x79: {  	v20 =	vld [tilespmem:s17+$0x10690]  }
0x7a: {  	v21 =	vld [tilespmem:s17+$0x86A0]  }
0x7b: {  	v52 =	vld [tilespmem:s17+$0x106A0]  }
0x7c: {  	v22 =	vld [tilespmem:s17+$0x86B0]  }
0x7d: {  	v53 =	vld [tilespmem:s17+$0x86C0]  }
0x7e: {  	v55 =	vld [tilespmem:s17+$0x106D0]  }
0x7f: {  	v57 =	vld [tilespmem:s17+$0x86E0]  }
0x80: {  	v59 =	vld [tilespmem:s17+$0x106E0];
	v1 =	vadd.f32 v2, v1  }
0x81: {  	v2 =	vld [tilespmem:s17+$0x10620]  }
0x82: {  	v3 =	vadd.f32 v49, v3;
	[tilespmem:s17+$0x6F0] =	vst.add.f32.msk $0xffff, v1  }
0x83: {  	v1 =	vld [tilespmem:s17+$0x8630]  }
0x84: {  	v5 =	vadd.f32 v51, v50;
	[tilespmem:s17+$0x600] =	vst.add.f32.msk $0xffff, v3  }
0x85: {  	v54 =	vadd.f32 v10, v9;
	v3 =	vld [tilespmem:s17+$0x106B0]  }
0x86: {  	v56 =	vadd.f32 v12, v11;
	[tilespmem:s17+$0x610] =	vst.add.f32.msk $0xffff, v5  }
0x87: {  	v58 =	vadd.f32 v14, v13;
	[tilespmem:s17+$0x640] =	vst.add.f32.msk $0xffff, v54  }
0x88: {  	[tilespmem:s17+$0x650] =	vst.add.f32.msk $0xffff, v56;
	v2 =	vadd.f32 v2, v7  }
0x89: {  	[tilespmem:s17+$0x660] =	vst.add.f32.msk $0xffff, v58  }
0x8a: {  	v1 =	vadd.f32 v8, v1;
	[tilespmem:s17+$0x620] =	vst.add.f32.msk $0xffff, v2  }
0x8b: {  	v2 =	vld [tilespmem:s17+$0x106C0]  }
0x8c: {  	v60 =	vadd.f32 v16, v15;
	[tilespmem:s17+$0x630] =	vst.add.f32.msk $0xffff, v1  }
0x8d: {  	v61 =	vadd.f32 v18, v17;
	v1 =	vld [tilespmem:s17+$0x86D0]  }
0x8e: {  	v62 =	vadd.f32 v20, v19;
	[tilespmem:s17+$0x670] =	vst.add.f32.msk $0xffff, v60  }
0x8f: {  	v4 =	vadd.f32 v52, v21;
	[tilespmem:s17+$0x680] =	vst.add.f32.msk $0xffff, v61  }
0x90: {  	[tilespmem:s17+$0x690] =	vst.add.f32.msk $0xffff, v62;
	v3 =	vadd.f32 v3, v22  }
0x91: {  	[tilespmem:s17+$0x6A0] =	vst.add.f32.msk $0xffff, v4;
	v2 =	vadd.f32 v2, v53  }
0x92: {  	[tilespmem:s17+$0x6B0] =	vst.add.f32.msk $0xffff, v3;
	v63 =	vadd.f32 v55, v1  }
0x93: {  	[tilespmem:s17+$0x6C0] =	vst.add.f32.msk $0xffff, v2;
	v1 =	vadd.f32 v59, v57  }
0x94: {  	s9 =	simm.s32 $0x400;
	s18 =	simm.s32 $0x0;
	[tilespmem:s17+$0x6D0] =	vst.add.f32.msk $0xffff, v63  }
.LBB2_2:
0x95: {  	[tilespmem:s17+$0x6E0] =	vst.add.f32.msk $0xffff, v1;
	s17 =	sshra.s32 s9, $0x2  }
0x96: {  	s18 =	sadd.s32 $0x2, s18;
	v1 =	vld [tilespmem:s17+$0x86F0]  }
0x97: {  	p0 =	slt.u32 s18, $0x7E;
	v2 =	vld [tilespmem:s17+$0x106F0]  }
0x98: {  	v3 =	vld [tilespmem:s17+$0x8600]  }
0x99: {  	v4 =	vld [tilespmem:s17+$0x10600]  }
0x9a: {  	v5 =	vld [tilespmem:s17+$0x8610]  }
0x9b: {  	v6 =	vld [tilespmem:s17+$0x10610]  }
0x9c: {  	v7 =	vld [tilespmem:s17+$0x8620];
	v1 =	vadd.f32 v2, v1  }
0x9d: {  	v2 =	vld [tilespmem:s17+$0x10620]  }
0x9e: {  	v3 =	vadd.f32 v4, v3;
	[tilespmem:s17+$0x6F0] =	vst.add.f32.msk $0xffff, v1  }
0x9f: {  	v1 =	vld [tilespmem:s17+$0x8630]  }
0xa0: {  	v4 =	vadd.f32 v6, v5;
	v5 =	vld [tilespmem:s17+$0x10630]  }
0xa1: {  	v6 =	vld [tilespmem:s17+$0x8640]  }
0xa2: {  	v2 =	vadd.f32 v2, v7;
	v7 =	vld [tilespmem:s17+$0x10640]  }
0xa3: {  	v8 =	vld [tilespmem:s17+$0x8650]  }
0xa4: {  	v9 =	vld [tilespmem:s17+$0x10650]  }
0xa5: {  	v1 =	vadd.f32 v5, v1;
	v5 =	vld [tilespmem:s17+$0x8660]  }
0xa6: {  	v10 =	vld [tilespmem:s17+$0x10660]  }
0xa7: {  	v6 =	vadd.f32 v7, v6;
	v7 =	vld [tilespmem:s17+$0x8670]  }
0xa8: {  	v11 =	vld [tilespmem:s17+$0x10670]  }
0xa9: {  	v8 =	vadd.f32 v9, v8;
	v9 =	vld [tilespmem:s17+$0x8680]  }
0xaa: {  	v12 =	vld [tilespmem:s17+$0x10680]  }
0xab: {  	v5 =	vadd.f32 v10, v5;
	v10 =	vld [tilespmem:s17+$0x8690]  }
0xac: {  	v13 =	vld [tilespmem:s17+$0x10690]  }
0xad: {  	v7 =	vadd.f32 v11, v7;
	v11 =	vld [tilespmem:s17+$0x86A0]  }
0xae: {  	v14 =	vld [tilespmem:s17+$0x106A0]  }
0xaf: {  	v9 =	vadd.f32 v12, v9;
	v12 =	vld [tilespmem:s17+$0x86B0]  }
0xb0: {  	v15 =	vld [tilespmem:s17+$0x106B0]  }
0xb1: {  	v10 =	vadd.f32 v13, v10;
	v13 =	vld [tilespmem:s17+$0x86C0]  }
0xb2: {  	v16 =	vld [tilespmem:s17+$0x106C0]  }
0xb3: {  	v11 =	vadd.f32 v14, v11;
	v14 =	vld [tilespmem:s17+$0x86D0]  }
0xb4: {  	v17 =	vld [tilespmem:s17+$0x106D0]  }
0xb5: {  	v12 =	vadd.f32 v15, v12;
	v15 =	vld [tilespmem:s17+$0x86E0]  }
0xb6: {  	v18 =	vld [tilespmem:s17+$0x106E0]  }
0xb7: {  	[tilespmem:s17+$0x600] =	vst.add.f32.msk $0xffff, v3;
	v3 =	vadd.f32 v16, v13  }
0xb8: {  	[tilespmem:s17+$0x610] =	vst.add.f32.msk $0xffff, v4  }
0xb9: {  	[tilespmem:s17+$0x620] =	vst.add.f32.msk $0xffff, v2;
	v2 =	vadd.f32 v17, v14  }
0xba: {  	[tilespmem:s17+$0x630] =	vst.add.f32.msk $0xffff, v1  }
0xbb: {  	[tilespmem:s17+$0x640] =	vst.add.f32.msk $0xffff, v6;
	v1 =	vadd.f32 v18, v15  }
0xbc: {  	[tilespmem:s17+$0x650] =	vst.add.f32.msk $0xffff, v8  }
0xbd: {  	[tilespmem:s17+$0x660] =	vst.add.f32.msk $0xffff, v5  }
0xbe: {  	[tilespmem:s17+$0x670] =	vst.add.f32.msk $0xffff, v7  }
0xbf: {  	[tilespmem:s17+$0x680] =	vst.add.f32.msk $0xffff, v9  }
.Ltmp0:
0xc0: {  	[tilespmem:s17+$0x690] =	vst.add.f32.msk $0xffff, v10;
	(pc) =	sbr.rel @p0 .LBB2_2-.Ltmp0, $4  }
0xc1: {  	[tilespmem:s17+$0x6A0] =	vst.add.f32.msk $0xffff, v11  }
0xc2: {  	[tilespmem:s17+$0x6B0] =	vst.add.f32.msk $0xffff, v12  }
0xc3: {  	[tilespmem:s17+$0x6C0] =	vst.add.f32.msk $0xffff, v3  }
0xc4: {  	s9 =	sadd.s32 $0x400, s9;
	[tilespmem:s17+$0x6D0] =	vst.add.f32.msk $0xffff, v2  }
0xc5: {  	[tilespmem:s17+$0x6E0] =	vst.add.f32.msk $0xffff, v1;
	s9 =	simm.s32 $0x480  }
0xc6: {  	[tilespmem:s29], [sflag:$0x5] =	stream.indirect.gather [spmem:s5], $0x80, s9, s19, $0xb8;
	[tilespmem:$0x1C800] =	vst v63  }
0xc7: {  	s18 =	simm.s32 $0x0  }
0xc8: {  	[hbm4b:s11+s18] =	stream.linear.scatter [tilespmem:s20], [sflag:$0x6], $0x4000, $0x38;
	[tilespmem:$0x1C800] =	vst v63  }
0xc9: {  	_ =	swait.ge [sflag:s1], $0x4000  }
0xca: {  	[sflag:s1] =	ssyncset.done $0x0  }
0xcb: {  	s17 =	simm.s32 $0x100;
	[sflag:s1] =	ssyncadd.s32 $0xFFFFC000  }
0xcc: {  	[tilespmem:s20], [sflag:$0x1] =	stream.indirect.gather [hbm4b:s0+s19], $0x80, s17, s19, $0xb8;
	[tilespmem:$0x1C800] =	vst v63  }
0xcd: {  	s18 =	simm.s32 $0x300  }
0xce: {  	[tilespmem:s25], [sflag:$0x3] =	stream.indirect.gather [spmem:s4], $0x80, s18, s19, $0xb8;
	[tilespmem:$0x1C800] =	vst v63  }
0xcf: {  	_ =	swait.ge [sflag:s26], $0x4000  }
0xd0: {  	[sflag:s26] =	ssyncset.done $0x0  }
0xd1: {  	[sflag:s26] =	ssyncadd.s32 $0xFFFFC000  }
0xd2: {  	_ =	swait.ge [sflag:s3], $0x4000  }
0xd3: {  	[sflag:s3] =	ssyncset.done $0x0  }
0xd4: {  	[sflag:s3] =	ssyncadd.s32 $0xFFFFC000  }
0xd5: {  	_ =	swait.ge [sflag:s2], $0x4000  }
0xd6: {  	[sflag:s2] =	ssyncset.done $0x0  }
0xd7: {  	s17 =	simm.s32 $0x0;
	[sflag:s2] =	ssyncadd.s32 $0xFFFFC000  }
0xd8: {  	v1 =	vld [tilespmem:s17+$0xC6F0]  }
0xd9: {  	v2 =	vld [tilespmem:s17+$0x106F0]  }
0xda: {  	v3 =	vld [tilespmem:s17+$0xC600]  }
0xdb: {  	v4 =	vld [tilespmem:s17+$0x10600]  }
0xdc: {  	v5 =	vld [tilespmem:s17+$0xC610]  }
0xdd: {  	v6 =	vld [tilespmem:s17+$0x10610]  }
0xde: {  	v7 =	vld [tilespmem:s17+$0xC620]  }
0xdf: {  	v8 =	vld [tilespmem:s17+$0x10630]  }
0xe0: {  	v9 =	vld [tilespmem:s17+$0xC640]  }
0xe1: {  	v10 =	vld [tilespmem:s17+$0x10640]  }
0xe2: {  	v11 =	vld [tilespmem:s17+$0xC650]  }
0xe3: {  	v12 =	vld [tilespmem:s17+$0x10650]  }
0xe4: {  	v13 =	vld [tilespmem:s17+$0xC660]  }
0xe5: {  	v14 =	vld [tilespmem:s17+$0x10660]  }
0xe6: {  	v15 =	vld [tilespmem:s17+$0xC670]  }
0xe7: {  	v16 =	vld [tilespmem:s17+$0x10670]  }
0xe8: {  	v17 =	vld [tilespmem:s17+$0xC680]  }
0xe9: {  	v18 =	vld [tilespmem:s17+$0x10680]  }
0xea: {  	v19 =	vld [tilespmem:s17+$0xC690]  }
0xeb: {  	v20 =	vld [tilespmem:s17+$0x10690]  }
0xec: {  	v21 =	vld [tilespmem:s17+$0xC6A0]  }
0xed: {  	v52 =	vld [tilespmem:s17+$0x106A0]  }
0xee: {  	v22 =	vld [tilespmem:s17+$0xC6B0]  }
0xef: {  	v53 =	vld [tilespmem:s17+$0xC6C0]  }
0xf0: {  	v55 =	vld [tilespmem:s17+$0x106D0]  }
0xf1: {  	v57 =	vld [tilespmem:s17+$0xC6E0]  }
0xf2: {  	v59 =	vld [tilespmem:s17+$0x106E0];
	v1 =	vadd.f32 v2, v1  }
0xf3: {  	v2 =	vld [tilespmem:s17+$0x10620]  }
0xf4: {  	v3 =	vadd.f32 v4, v3;
	[tilespmem:s17+$0x46F0] =	vst.add.f32.msk $0xffff, v1  }
0xf5: {  	v1 =	vld [tilespmem:s17+$0xC630]  }
0xf6: {  	v5 =	vadd.f32 v6, v5;
	[tilespmem:s17+$0x4600] =	vst.add.f32.msk $0xffff, v3  }
0xf7: {  	v54 =	vadd.f32 v10, v9;
	v3 =	vld [tilespmem:s17+$0x106B0]  }
0xf8: {  	v56 =	vadd.f32 v12, v11;
	[tilespmem:s17+$0x4610] =	vst.add.f32.msk $0xffff, v5  }
0xf9: {  	v58 =	vadd.f32 v14, v13;
	[tilespmem:s17+$0x4640] =	vst.add.f32.msk $0xffff, v54  }
0xfa: {  	[tilespmem:s17+$0x4650] =	vst.add.f32.msk $0xffff, v56;
	v2 =	vadd.f32 v2, v7  }
0xfb: {  	[tilespmem:s17+$0x4660] =	vst.add.f32.msk $0xffff, v58  }
0xfc: {  	v1 =	vadd.f32 v8, v1;
	[tilespmem:s17+$0x4620] =	vst.add.f32.msk $0xffff, v2  }
0xfd: {  	v2 =	vld [tilespmem:s17+$0x106C0]  }
0xfe: {  	v60 =	vadd.f32 v16, v15;
	[tilespmem:s17+$0x4630] =	vst.add.f32.msk $0xffff, v1  }
0xff: {  	v61 =	vadd.f32 v18, v17;
	v1 =	vld [tilespmem:s17+$0xC6D0]  }
0x100: {  	v62 =	vadd.f32 v20, v19;
	[tilespmem:s17+$0x4670] =	vst.add.f32.msk $0xffff, v60  }
0x101: {  	v4 =	vadd.f32 v52, v21;
	[tilespmem:s17+$0x4680] =	vst.add.f32.msk $0xffff, v61  }
0x102: {  	[tilespmem:s17+$0x4690] =	vst.add.f32.msk $0xffff, v62;
	v3 =	vadd.f32 v3, v22  }
0x103: {  	[tilespmem:s17+$0x46A0] =	vst.add.f32.msk $0xffff, v4;
	v2 =	vadd.f32 v2, v53  }
0x104: {  	[tilespmem:s17+$0x46B0] =	vst.add.f32.msk $0xffff, v3;
	v63 =	vadd.f32 v55, v1  }
0x105: {  	[tilespmem:s17+$0x46C0] =	vst.add.f32.msk $0xffff, v2;
	v1 =	vadd.f32 v59, v57  }
0x106: {  	s9 =	simm.s32 $0x400;
	s18 =	simm.s32 $0x0;
	[tilespmem:s17+$0x46D0] =	vst.add.f32.msk $0xffff, v63  }
.LBB2_4:
0x107: {  	[tilespmem:s17+$0x46E0] =	vst.add.f32.msk $0xffff, v1;
	s17 =	sshra.s32 s9, $0x2  }
0x108: {  	s18 =	sadd.s32 $0x2, s18;
	v1 =	vld [tilespmem:s17+$0xC6F0]  }
0x109: {  	p0 =	slt.u32 s18, $0x7E;
	v2 =	vld [tilespmem:s17+$0x106F0]  }
0x10a: {  	v3 =	vld [tilespmem:s17+$0xC600]  }
0x10b: {  	v4 =	vld [tilespmem:s17+$0x10600]  }
0x10c: {  	v5 =	vld [tilespmem:s17+$0xC610]  }
0x10d: {  	v6 =	vld [tilespmem:s17+$0x10610]  }
0x10e: {  	v7 =	vld [tilespmem:s17+$0xC620];
	v1 =	vadd.f32 v2, v1  }
0x10f: {  	v2 =	vld [tilespmem:s17+$0x10620]  }
0x110: {  	v3 =	vadd.f32 v4, v3;
	[tilespmem:s17+$0x46F0] =	vst.add.f32.msk $0xffff, v1  }
0x111: {  	v1 =	vld [tilespmem:s17+$0xC630]  }
0x112: {  	v4 =	vadd.f32 v6, v5;
	v5 =	vld [tilespmem:s17+$0x10630]  }
0x113: {  	v6 =	vld [tilespmem:s17+$0xC640]  }
0x114: {  	v2 =	vadd.f32 v2, v7;
	v7 =	vld [tilespmem:s17+$0x10640]  }
0x115: {  	v8 =	vld [tilespmem:s17+$0xC650]  }
0x116: {  	v9 =	vld [tilespmem:s17+$0x10650]  }
0x117: {  	v1 =	vadd.f32 v5, v1;
	v5 =	vld [tilespmem:s17+$0xC660]  }
0x118: {  	v10 =	vld [tilespmem:s17+$0x10660]  }
0x119: {  	v6 =	vadd.f32 v7, v6;
	v7 =	vld [tilespmem:s17+$0xC670]  }
0x11a: {  	v11 =	vld [tilespmem:s17+$0x10670]  }
0x11b: {  	v8 =	vadd.f32 v9, v8;
	v9 =	vld [tilespmem:s17+$0xC680]  }
0x11c: {  	v12 =	vld [tilespmem:s17+$0x10680]  }
0x11d: {  	v5 =	vadd.f32 v10, v5;
	v10 =	vld [tilespmem:s17+$0xC690]  }
0x11e: {  	v13 =	vld [tilespmem:s17+$0x10690]  }
0x11f: {  	v7 =	vadd.f32 v11, v7;
	v11 =	vld [tilespmem:s17+$0xC6A0]  }
0x120: {  	v14 =	vld [tilespmem:s17+$0x106A0]  }
0x121: {  	v9 =	vadd.f32 v12, v9;
	v12 =	vld [tilespmem:s17+$0xC6B0]  }
0x122: {  	v15 =	vld [tilespmem:s17+$0x106B0]  }
0x123: {  	v10 =	vadd.f32 v13, v10;
	v13 =	vld [tilespmem:s17+$0xC6C0]  }
0x124: {  	v16 =	vld [tilespmem:s17+$0x106C0]  }
0x125: {  	v11 =	vadd.f32 v14, v11;
	v14 =	vld [tilespmem:s17+$0xC6D0]  }
0x126: {  	v17 =	vld [tilespmem:s17+$0x106D0]  }
0x127: {  	v12 =	vadd.f32 v15, v12;
	v15 =	vld [tilespmem:s17+$0xC6E0]  }
0x128: {  	v18 =	vld [tilespmem:s17+$0x106E0]  }
0x129: {  	[tilespmem:s17+$0x4600] =	vst.add.f32.msk $0xffff, v3;
	v3 =	vadd.f32 v16, v13  }
0x12a: {  	[tilespmem:s17+$0x4610] =	vst.add.f32.msk $0xffff, v4  }
0x12b: {  	[tilespmem:s17+$0x4620] =	vst.add.f32.msk $0xffff, v2;
	v2 =	vadd.f32 v17, v14  }
0x12c: {  	[tilespmem:s17+$0x4630] =	vst.add.f32.msk $0xffff, v1  }
0x12d: {  	[tilespmem:s17+$0x4640] =	vst.add.f32.msk $0xffff, v6;
	v1 =	vadd.f32 v18, v15  }
0x12e: {  	[tilespmem:s17+$0x4650] =	vst.add.f32.msk $0xffff, v8  }
0x12f: {  	[tilespmem:s17+$0x4660] =	vst.add.f32.msk $0xffff, v5  }
0x130: {  	[tilespmem:s17+$0x4670] =	vst.add.f32.msk $0xffff, v7  }
0x131: {  	[tilespmem:s17+$0x4680] =	vst.add.f32.msk $0xffff, v9  }
.Ltmp1:
0x132: {  	[tilespmem:s17+$0x4690] =	vst.add.f32.msk $0xffff, v10;
	(pc) =	sbr.rel @p0 .LBB2_4-.Ltmp1, $4  }
0x133: {  	[tilespmem:s17+$0x46A0] =	vst.add.f32.msk $0xffff, v11  }
0x134: {  	[tilespmem:s17+$0x46B0] =	vst.add.f32.msk $0xffff, v12  }
0x135: {  	[tilespmem:s17+$0x46C0] =	vst.add.f32.msk $0xffff, v3  }
0x136: {  	s9 =	sadd.s32 $0x400, s9;
	[tilespmem:s17+$0x46D0] =	vst.add.f32.msk $0xffff, v2  }
0x137: {  	[tilespmem:s17+$0x46E0] =	vst.add.f32.msk $0xffff, v1;
	s9 =	simm.s32 $0x500  }
0x138: {  	[tilespmem:s29], [sflag:$0x5] =	stream.indirect.gather [spmem:s5], $0x80, s9, s19, $0xb8;
	[tilespmem:$0x1C800] =	vst v63  }
0x139: {  	s18 =	simm.s32 $0x0  }
0x13a: {  	[hbm4b:s12+s18] =	stream.linear.scatter [tilespmem:s21], [sflag:$0x7], $0x4000, $0x38;
	[tilespmem:$0x1C800] =	vst v63  }
0x13b: {  	_ =	swait.ge [sflag:s7], $0x4000  }
0x13c: {  	[sflag:s7] =	ssyncset.done $0x0  }
0x13d: {  	s17 =	simm.s32 $0x180;
	[sflag:s7] =	ssyncadd.s32 $0xFFFFC000  }
0x13e: {  	[tilespmem:s21], [sflag:$0x2] =	stream.indirect.gather [hbm4b:s0+s19], $0x80, s17, s19, $0xb8;
	[tilespmem:$0x1C800] =	vst v63  }
0x13f: {  	s18 =	simm.s32 $0x380  }
0x140: {  	[tilespmem:s28], [sflag:$0x4] =	stream.indirect.gather [spmem:s4], $0x80, s18, s19, $0xb8;
	[tilespmem:$0x1C800] =	vst v63  }
0x141: {  	_ =	swait.ge [sflag:s30], $0x4000  }
0x142: {  	[sflag:s30] =	ssyncset.done $0x0  }
0x143: {  	[sflag:s30] =	ssyncadd.s32 $0xFFFFC000  }
0x144: {  	_ =	swait.ge [sflag:s31], $0x4000  }
0x145: {  	[sflag:s31] =	ssyncset.done $0x0  }
0x146: {  	[sflag:s31] =	ssyncadd.s32 $0xFFFFC000  }
0x147: {  	_ =	swait.ge [sflag:s2], $0x4000  }
0x148: {  	[sflag:s2] =	ssyncset.done $0x0  }
0x149: {  	s17 =	simm.s32 $0x0;
	[sflag:s2] =	ssyncadd.s32 $0xFFFFC000  }
0x14a: {  	v1 =	vld [tilespmem:s17+$0x86F0]  }
0x14b: {  	v2 =	vld [tilespmem:s17+$0x106F0]  }
0x14c: {  	v3 =	vld [tilespmem:s17+$0x8600]  }
0x14d: {  	v4 =	vld [tilespmem:s17+$0x10600]  }
0x14e: {  	v5 =	vld [tilespmem:s17+$0x8610]  }
0x14f: {  	v6 =	vld [tilespmem:s17+$0x10610]  }
0x150: {  	v7 =	vld [tilespmem:s17+$0x8620]  }
0x151: {  	v8 =	vld [tilespmem:s17+$0x10630]  }
0x152: {  	v9 =	vld [tilespmem:s17+$0x8640]  }
0x153: {  	v10 =	vld [tilespmem:s17+$0x10640]  }
0x154: {  	v11 =	vld [tilespmem:s17+$0x8650]  }
0x155: {  	v12 =	vld [tilespmem:s17+$0x10650]  }
0x156: {  	v13 =	vld [tilespmem:s17+$0x8660]  }
0x157: {  	v14 =	vld [tilespmem:s17+$0x10660]  }
0x158: {  	v15 =	vld [tilespmem:s17+$0x8670]  }
0x159: {  	v16 =	vld [tilespmem:s17+$0x10670]  }
0x15a: {  	v17 =	vld [tilespmem:s17+$0x8680]  }
0x15b: {  	v18 =	vld [tilespmem:s17+$0x10680]  }
0x15c: {  	v19 =	vld [tilespmem:s17+$0x8690]  }
0x15d: {  	v20 =	vld [tilespmem:s17+$0x10690]  }
0x15e: {  	v21 =	vld [tilespmem:s17+$0x86A0]  }
0x15f: {  	v52 =	vld [tilespmem:s17+$0x106A0]  }
0x160: {  	v22 =	vld [tilespmem:s17+$0x86B0]  }
0x161: {  	v53 =	vld [tilespmem:s17+$0x86C0]  }
0x162: {  	v55 =	vld [tilespmem:s17+$0x106D0]  }
0x163: {  	v57 =	vld [tilespmem:s17+$0x86E0]  }
0x164: {  	v59 =	vld [tilespmem:s17+$0x106E0];
	v1 =	vadd.f32 v2, v1  }
0x165: {  	v2 =	vld [tilespmem:s17+$0x10620]  }
0x166: {  	v3 =	vadd.f32 v4, v3;
	[tilespmem:s17+$0x6F0] =	vst.add.f32.msk $0xffff, v1  }
0x167: {  	v1 =	vld [tilespmem:s17+$0x8630]  }
0x168: {  	v5 =	vadd.f32 v6, v5;
	[tilespmem:s17+$0x600] =	vst.add.f32.msk $0xffff, v3  }
0x169: {  	v54 =	vadd.f32 v10, v9;
	v3 =	vld [tilespmem:s17+$0x106B0]  }
0x16a: {  	v56 =	vadd.f32 v12, v11;
	[tilespmem:s17+$0x610] =	vst.add.f32.msk $0xffff, v5  }
0x16b: {  	v58 =	vadd.f32 v14, v13;
	[tilespmem:s17+$0x640] =	vst.add.f32.msk $0xffff, v54  }
0x16c: {  	[tilespmem:s17+$0x650] =	vst.add.f32.msk $0xffff, v56;
	v2 =	vadd.f32 v2, v7  }
0x16d: {  	[tilespmem:s17+$0x660] =	vst.add.f32.msk $0xffff, v58  }
0x16e: {  	v1 =	vadd.f32 v8, v1;
	[tilespmem:s17+$0x620] =	vst.add.f32.msk $0xffff, v2  }
0x16f: {  	v2 =	vld [tilespmem:s17+$0x106C0]  }
0x170: {  	v60 =	vadd.f32 v16, v15;
	[tilespmem:s17+$0x630] =	vst.add.f32.msk $0xffff, v1  }
0x171: {  	v61 =	vadd.f32 v18, v17;
	v1 =	vld [tilespmem:s17+$0x86D0]  }
0x172: {  	v62 =	vadd.f32 v20, v19;
	[tilespmem:s17+$0x670] =	vst.add.f32.msk $0xffff, v60  }
0x173: {  	v4 =	vadd.f32 v52, v21;
	[tilespmem:s17+$0x680] =	vst.add.f32.msk $0xffff, v61  }
0x174: {  	[tilespmem:s17+$0x690] =	vst.add.f32.msk $0xffff, v62;
	v3 =	vadd.f32 v3, v22  }
0x175: {  	[tilespmem:s17+$0x6A0] =	vst.add.f32.msk $0xffff, v4;
	v2 =	vadd.f32 v2, v53  }
0x176: {  	[tilespmem:s17+$0x6B0] =	vst.add.f32.msk $0xffff, v3;
	v63 =	vadd.f32 v55, v1  }
0x177: {  	[tilespmem:s17+$0x6C0] =	vst.add.f32.msk $0xffff, v2;
	v1 =	vadd.f32 v59, v57  }
0x178: {  	s9 =	simm.s32 $0x400;
	s18 =	simm.s32 $0x0;
	[tilespmem:s17+$0x6D0] =	vst.add.f32.msk $0xffff, v63  }
.LBB2_6:
0x179: {  	[tilespmem:s17+$0x6E0] =	vst.add.f32.msk $0xffff, v1;
	s17 =	sshra.s32 s9, $0x2  }
0x17a: {  	s18 =	sadd.s32 $0x2, s18;
	v1 =	vld [tilespmem:s17+$0x86F0]  }
0x17b: {  	p0 =	slt.u32 s18, $0x7E;
	v2 =	vld [tilespmem:s17+$0x106F0]  }
0x17c: {  	v3 =	vld [tilespmem:s17+$0x8600]  }
0x17d: {  	v4 =	vld [tilespmem:s17+$0x10600]  }
0x17e: {  	v5 =	vld [tilespmem:s17+$0x8610]  }
0x17f: {  	v6 =	vld [tilespmem:s17+$0x10610]  }
0x180: {  	v7 =	vld [tilespmem:s17+$0x8620];
	v1 =	vadd.f32 v2, v1  }
0x181: {  	v2 =	vld [tilespmem:s17+$0x10620]  }
0x182: {  	v3 =	vadd.f32 v4, v3;
	[tilespmem:s17+$0x6F0] =	vst.add.f32.msk $0xffff, v1  }
0x183: {  	v1 =	vld [tilespmem:s17+$0x8630]  }
0x184: {  	v4 =	vadd.f32 v6, v5;
	v5 =	vld [tilespmem:s17+$0x10630]  }
0x185: {  	v6 =	vld [tilespmem:s17+$0x8640]  }
0x186: {  	v2 =	vadd.f32 v2, v7;
	v7 =	vld [tilespmem:s17+$0x10640]  }
0x187: {  	v8 =	vld [tilespmem:s17+$0x8650]  }
0x188: {  	v9 =	vld [tilespmem:s17+$0x10650]  }
0x189: {  	v1 =	vadd.f32 v5, v1;
	v5 =	vld [tilespmem:s17+$0x8660]  }
0x18a: {  	v10 =	vld [tilespmem:s17+$0x10660]  }
0x18b: {  	v6 =	vadd.f32 v7, v6;
	v7 =	vld [tilespmem:s17+$0x8670]  }
0x18c: {  	v11 =	vld [tilespmem:s17+$0x10670]  }
0x18d: {  	v8 =	vadd.f32 v9, v8;
	v9 =	vld [tilespmem:s17+$0x8680]  }
0x18e: {  	v12 =	vld [tilespmem:s17+$0x10680]  }
0x18f: {  	v5 =	vadd.f32 v10, v5;
	v10 =	vld [tilespmem:s17+$0x8690]  }
0x190: {  	v13 =	vld [tilespmem:s17+$0x10690]  }
0x191: {  	v7 =	vadd.f32 v11, v7;
	v11 =	vld [tilespmem:s17+$0x86A0]  }
0x192: {  	v14 =	vld [tilespmem:s17+$0x106A0]  }
0x193: {  	v9 =	vadd.f32 v12, v9;
	v12 =	vld [tilespmem:s17+$0x86B0]  }
0x194: {  	v15 =	vld [tilespmem:s17+$0x106B0]  }
0x195: {  	v10 =	vadd.f32 v13, v10;
	v13 =	vld [tilespmem:s17+$0x86C0]  }
0x196: {  	v16 =	vld [tilespmem:s17+$0x106C0]  }
0x197: {  	v11 =	vadd.f32 v14, v11;
	v14 =	vld [tilespmem:s17+$0x86D0]  }
0x198: {  	v17 =	vld [tilespmem:s17+$0x106D0]  }
0x199: {  	v12 =	vadd.f32 v15, v12;
	v15 =	vld [tilespmem:s17+$0x86E0]  }
0x19a: {  	v18 =	vld [tilespmem:s17+$0x106E0]  }
0x19b: {  	[tilespmem:s17+$0x600] =	vst.add.f32.msk $0xffff, v3;
	v3 =	vadd.f32 v16, v13  }
0x19c: {  	[tilespmem:s17+$0x610] =	vst.add.f32.msk $0xffff, v4  }
0x19d: {  	[tilespmem:s17+$0x620] =	vst.add.f32.msk $0xffff, v2;
	v2 =	vadd.f32 v17, v14  }
0x19e: {  	[tilespmem:s17+$0x630] =	vst.add.f32.msk $0xffff, v1  }
0x19f: {  	[tilespmem:s17+$0x640] =	vst.add.f32.msk $0xffff, v6;
	v1 =	vadd.f32 v18, v15  }
0x1a0: {  	[tilespmem:s17+$0x650] =	vst.add.f32.msk $0xffff, v8  }
0x1a1: {  	[tilespmem:s17+$0x660] =	vst.add.f32.msk $0xffff, v5  }
0x1a2: {  	[tilespmem:s17+$0x670] =	vst.add.f32.msk $0xffff, v7  }
0x1a3: {  	[tilespmem:s17+$0x680] =	vst.add.f32.msk $0xffff, v9  }
.Ltmp2:
0x1a4: {  	[tilespmem:s17+$0x690] =	vst.add.f32.msk $0xffff, v10;
	(pc) =	sbr.rel @p0 .LBB2_6-.Ltmp2, $4  }
0x1a5: {  	[tilespmem:s17+$0x6A0] =	vst.add.f32.msk $0xffff, v11  }
0x1a6: {  	[tilespmem:s17+$0x6B0] =	vst.add.f32.msk $0xffff, v12  }
0x1a7: {  	[tilespmem:s17+$0x6C0] =	vst.add.f32.msk $0xffff, v3  }
0x1a8: {  	s9 =	sadd.s32 $0x400, s9;
	[tilespmem:s17+$0x6D0] =	vst.add.f32.msk $0xffff, v2  }
0x1a9: {  	[tilespmem:s17+$0x6E0] =	vst.add.f32.msk $0xffff, v1;
	s9 =	simm.s32 $0x580  }
0x1aa: {  	[tilespmem:s29], [sflag:$0x5] =	stream.indirect.gather [spmem:s5], $0x80, s9, s19, $0xb8;
	[tilespmem:$0x1C800] =	vst v63  }
0x1ab: {  	s18 =	simm.s32 $0x0  }
0x1ac: {  	[hbm4b:s13+s18] =	stream.linear.scatter [tilespmem:s20], [sflag:$0x6], $0x4000, $0x38;
	[tilespmem:$0x1C800] =	vst v63  }
0x1ad: {  	_ =	swait.ge [sflag:s26], $0x4000  }
0x1ae: {  	[sflag:s26] =	ssyncset.done $0x0  }
0x1af: {  	[sflag:s26] =	ssyncadd.s32 $0xFFFFC000  }
0x1b0: {  	_ =	swait.ge [sflag:s3], $0x4000  }
0x1b1: {  	[sflag:s3] =	ssyncset.done $0x0  }
0x1b2: {  	[sflag:s3] =	ssyncadd.s32 $0xFFFFC000  }
0x1b3: {  	_ =	swait.ge [sflag:s2], $0x4000  }
0x1b4: {  	[sflag:s2] =	ssyncset.done $0x0  }
0x1b5: {  	s17 =	simm.s32 $0x0;
	[sflag:s2] =	ssyncadd.s32 $0xFFFFC000  }
0x1b6: {  	v1 =	vld [tilespmem:s17+$0xC6F0]  }
0x1b7: {  	v2 =	vld [tilespmem:s17+$0x106F0]  }
0x1b8: {  	v3 =	vld [tilespmem:s17+$0xC600]  }
0x1b9: {  	v4 =	vld [tilespmem:s17+$0x10600]  }
0x1ba: {  	v5 =	vld [tilespmem:s17+$0xC610]  }
0x1bb: {  	v6 =	vld [tilespmem:s17+$0x10610]  }
0x1bc: {  	v7 =	vld [tilespmem:s17+$0xC620]  }
0x1bd: {  	v8 =	vld [tilespmem:s17+$0x10630]  }
0x1be: {  	v9 =	vld [tilespmem:s17+$0xC640]  }
0x1bf: {  	v10 =	vld [tilespmem:s17+$0x10640]  }
0x1c0: {  	v11 =	vld [tilespmem:s17+$0xC650]  }
0x1c1: {  	v12 =	vld [tilespmem:s17+$0x10650]  }
0x1c2: {  	v13 =	vld [tilespmem:s17+$0xC660]  }
0x1c3: {  	v14 =	vld [tilespmem:s17+$0x10660]  }
0x1c4: {  	v15 =	vld [tilespmem:s17+$0xC670]  }
0x1c5: {  	v16 =	vld [tilespmem:s17+$0x10670]  }
0x1c6: {  	v17 =	vld [tilespmem:s17+$0xC680]  }
0x1c7: {  	v18 =	vld [tilespmem:s17+$0x10680]  }
0x1c8: {  	v19 =	vld [tilespmem:s17+$0xC690]  }
0x1c9: {  	v20 =	vld [tilespmem:s17+$0x10690]  }
0x1ca: {  	v21 =	vld [tilespmem:s17+$0xC6A0]  }
0x1cb: {  	v52 =	vld [tilespmem:s17+$0x106A0]  }
0x1cc: {  	v22 =	vld [tilespmem:s17+$0xC6B0]  }
0x1cd: {  	v53 =	vld [tilespmem:s17+$0xC6C0]  }
0x1ce: {  	v55 =	vld [tilespmem:s17+$0x106D0]  }
0x1cf: {  	v57 =	vld [tilespmem:s17+$0xC6E0]  }
0x1d0: {  	v59 =	vld [tilespmem:s17+$0x106E0];
	v1 =	vadd.f32 v2, v1  }
0x1d1: {  	v2 =	vld [tilespmem:s17+$0x10620]  }
0x1d2: {  	v3 =	vadd.f32 v4, v3;
	[tilespmem:s17+$0x46F0] =	vst.add.f32.msk $0xffff, v1  }
0x1d3: {  	v1 =	vld [tilespmem:s17+$0xC630]  }
0x1d4: {  	v5 =	vadd.f32 v6, v5;
	[tilespmem:s17+$0x4600] =	vst.add.f32.msk $0xffff, v3  }
0x1d5: {  	v54 =	vadd.f32 v10, v9;
	v3 =	vld [tilespmem:s17+$0x106B0]  }
0x1d6: {  	v56 =	vadd.f32 v12, v11;
	[tilespmem:s17+$0x4610] =	vst.add.f32.msk $0xffff, v5  }
0x1d7: {  	v58 =	vadd.f32 v14, v13;
	[tilespmem:s17+$0x4640] =	vst.add.f32.msk $0xffff, v54  }
0x1d8: {  	[tilespmem:s17+$0x4650] =	vst.add.f32.msk $0xffff, v56;
	v2 =	vadd.f32 v2, v7  }
0x1d9: {  	[tilespmem:s17+$0x4660] =	vst.add.f32.msk $0xffff, v58  }
0x1da: {  	v1 =	vadd.f32 v8, v1;
	[tilespmem:s17+$0x4620] =	vst.add.f32.msk $0xffff, v2  }
0x1db: {  	v2 =	vld [tilespmem:s17+$0x106C0]  }
0x1dc: {  	v60 =	vadd.f32 v16, v15;
	[tilespmem:s17+$0x4630] =	vst.add.f32.msk $0xffff, v1  }
0x1dd: {  	v61 =	vadd.f32 v18, v17;
	v1 =	vld [tilespmem:s17+$0xC6D0]  }
0x1de: {  	v62 =	vadd.f32 v20, v19;
	[tilespmem:s17+$0x4670] =	vst.add.f32.msk $0xffff, v60  }
0x1df: {  	v4 =	vadd.f32 v52, v21;
	[tilespmem:s17+$0x4680] =	vst.add.f32.msk $0xffff, v61  }
0x1e0: {  	[tilespmem:s17+$0x4690] =	vst.add.f32.msk $0xffff, v62;
	v3 =	vadd.f32 v3, v22  }
0x1e1: {  	[tilespmem:s17+$0x46A0] =	vst.add.f32.msk $0xffff, v4;
	v2 =	vadd.f32 v2, v53  }
0x1e2: {  	[tilespmem:s17+$0x46B0] =	vst.add.f32.msk $0xffff, v3;
	v63 =	vadd.f32 v55, v1  }
0x1e3: {  	[tilespmem:s17+$0x46C0] =	vst.add.f32.msk $0xffff, v2;
	v1 =	vadd.f32 v59, v57  }
0x1e4: {  	s9 =	simm.s32 $0x400;
	s18 =	simm.s32 $0x0;
	[tilespmem:s17+$0x46D0] =	vst.add.f32.msk $0xffff, v63  }
.LBB2_8:
0x1e5: {  	[tilespmem:s17+$0x46E0] =	vst.add.f32.msk $0xffff, v1;
	s17 =	sshra.s32 s9, $0x2  }
0x1e6: {  	s18 =	sadd.s32 $0x2, s18;
	v1 =	vld [tilespmem:s17+$0xC6F0]  }
0x1e7: {  	p0 =	slt.u32 s18, $0x7E;
	v2 =	vld [tilespmem:s17+$0x106F0]  }
0x1e8: {  	v3 =	vld [tilespmem:s17+$0xC600]  }
0x1e9: {  	v4 =	vld [tilespmem:s17+$0x10600]  }
0x1ea: {  	v5 =	vld [tilespmem:s17+$0xC610]  }
0x1eb: {  	v6 =	vld [tilespmem:s17+$0x10610]  }
0x1ec: {  	v7 =	vld [tilespmem:s17+$0xC620];
	v1 =	vadd.f32 v2, v1  }
0x1ed: {  	v2 =	vld [tilespmem:s17+$0x10620]  }
0x1ee: {  	v3 =	vadd.f32 v4, v3;
	[tilespmem:s17+$0x46F0] =	vst.add.f32.msk $0xffff, v1  }
0x1ef: {  	v1 =	vld [tilespmem:s17+$0xC630]  }
0x1f0: {  	v4 =	vadd.f32 v6, v5;
	v5 =	vld [tilespmem:s17+$0x10630]  }
0x1f1: {  	v6 =	vld [tilespmem:s17+$0xC640]  }
0x1f2: {  	v2 =	vadd.f32 v2, v7;
	v7 =	vld [tilespmem:s17+$0x10640]  }
0x1f3: {  	v8 =	vld [tilespmem:s17+$0xC650]  }
0x1f4: {  	v9 =	vld [tilespmem:s17+$0x10650]  }
0x1f5: {  	v1 =	vadd.f32 v5, v1;
	v5 =	vld [tilespmem:s17+$0xC660]  }
0x1f6: {  	v10 =	vld [tilespmem:s17+$0x10660]  }
0x1f7: {  	v6 =	vadd.f32 v7, v6;
	v7 =	vld [tilespmem:s17+$0xC670]  }
0x1f8: {  	v11 =	vld [tilespmem:s17+$0x10670]  }
0x1f9: {  	v8 =	vadd.f32 v9, v8;
	v9 =	vld [tilespmem:s17+$0xC680]  }
0x1fa: {  	v12 =	vld [tilespmem:s17+$0x10680]  }
0x1fb: {  	v5 =	vadd.f32 v10, v5;
	v10 =	vld [tilespmem:s17+$0xC690]  }
0x1fc: {  	v13 =	vld [tilespmem:s17+$0x10690]  }
0x1fd: {  	v7 =	vadd.f32 v11, v7;
	v11 =	vld [tilespmem:s17+$0xC6A0]  }
0x1fe: {  	v14 =	vld [tilespmem:s17+$0x106A0]  }
0x1ff: {  	v9 =	vadd.f32 v12, v9;
	v12 =	vld [tilespmem:s17+$0xC6B0]  }
0x200: {  	v15 =	vld [tilespmem:s17+$0x106B0]  }
0x201: {  	v10 =	vadd.f32 v13, v10;
	v13 =	vld [tilespmem:s17+$0xC6C0]  }
0x202: {  	v16 =	vld [tilespmem:s17+$0x106C0]  }
0x203: {  	v11 =	vadd.f32 v14, v11;
	v14 =	vld [tilespmem:s17+$0xC6D0]  }
0x204: {  	v17 =	vld [tilespmem:s17+$0x106D0]  }
0x205: {  	v12 =	vadd.f32 v15, v12;
	v15 =	vld [tilespmem:s17+$0xC6E0]  }
0x206: {  	v18 =	vld [tilespmem:s17+$0x106E0]  }
0x207: {  	[tilespmem:s17+$0x4600] =	vst.add.f32.msk $0xffff, v3;
	v3 =	vadd.f32 v16, v13  }
0x208: {  	[tilespmem:s17+$0x4610] =	vst.add.f32.msk $0xffff, v4  }
0x209: {  	[tilespmem:s17+$0x4620] =	vst.add.f32.msk $0xffff, v2;
	v2 =	vadd.f32 v17, v14  }
0x20a: {  	[tilespmem:s17+$0x4630] =	vst.add.f32.msk $0xffff, v1  }
0x20b: {  	[tilespmem:s17+$0x4640] =	vst.add.f32.msk $0xffff, v6;
	v1 =	vadd.f32 v18, v15  }
0x20c: {  	[tilespmem:s17+$0x4650] =	vst.add.f32.msk $0xffff, v8  }
0x20d: {  	[tilespmem:s17+$0x4660] =	vst.add.f32.msk $0xffff, v5  }
0x20e: {  	[tilespmem:s17+$0x4670] =	vst.add.f32.msk $0xffff, v7  }
0x20f: {  	[tilespmem:s17+$0x4680] =	vst.add.f32.msk $0xffff, v9  }
.Ltmp3:
0x210: {  	[tilespmem:s17+$0x4690] =	vst.add.f32.msk $0xffff, v10;
	(pc) =	sbr.rel @p0 .LBB2_8-.Ltmp3, $4  }
0x211: {  	[tilespmem:s17+$0x46A0] =	vst.add.f32.msk $0xffff, v11  }
0x212: {  	[tilespmem:s17+$0x46B0] =	vst.add.f32.msk $0xffff, v12  }
0x213: {  	[tilespmem:s17+$0x46C0] =	vst.add.f32.msk $0xffff, v3  }
0x214: {  	s9 =	sadd.s32 $0x400, s9;
	[tilespmem:s17+$0x46D0] =	vst.add.f32.msk $0xffff, v2  }
0x215: {  	[tilespmem:s17+$0x46E0] =	vst.add.f32.msk $0xffff, v1;
	s8 =	sadd.s32 $0x1, s8  }
0x216: {  	[hbm4b:s14+s6] =	stream.linear.scatter [tilespmem:s21], [sflag:$0x7], $0x4000, $0x38;
	[tilespmem:$0x1C800] =	vst v63  }
0x217: {  	p0 =	sne.s32 s8, s15;
	_ =	swait.ge [sflag:s1], $0x4000  }
.Ltmp4:
0x218: {  	[sflag:s1] =	ssyncset.done $0x0;
	(pc) =	sbr.rel @p0 .LBB2_1-.Ltmp4, $4  }
0x219: {  	[sflag:s1] =	ssyncadd.s32 $0xFFFFC000  }
0x21a: {  	_ =	swait.ge [sflag:s7], $0x4000  }
0x21b: {  	[sflag:s7] =	ssyncset.done $0x0  }
0x21c: {  	[sflag:s7] =	ssyncadd.s32 $0xFFFFC000  }
0x21d: {  	_ =	sfence.sel $0x180000  }
0x21e: {  	[bflag:$0x0] =	sbarrier.arrive $0xFFFF  }
0x21f: {  	_ =	strace $0x90000047  }
0x220: {  	s0 =	stileid.u32;
	[bflag:$0x2] =	sbarrier.arrive $0xFFFF  }
0x221: {  	p0 =	sne.s32 s0, $0x0;
	s0 =	rddreg [dreg:$0x7]  }
0x222: {  	s0 =	sadd.s32 @!p0 $0x100000, s0  }
0x223: {  	[sflag:s0] =	ssyncadd.tile.s32 @!p0 $0x1;
	_ =	shalt  }
.Lfunc_end2:
_tile_overlayer_lowered:
.L_overlay_start_2:
0x224: {  	(tag) =	ssettag $0x2  }
0x225: {  	s0 =	rddreg [dreg:$0x0];
	s2 =	stileid.u32  }
0x226: {  	s1 =	rddreg [dreg:$0x1];
	p0 =	sne.s32 s2, $0x0  }
0x227: {  	s3 =	rddreg [dreg:$0x2];
	[bflag:$0x3] =	sbarrier.arrive $0xFFFF;
	s2 =	simm.s32 @!p0 $0x1C08  }
0x228: {  	[timem:s3], [sflag:s2] =	dma.local @!p0 [hbm:s0], s1  }
0x229: {  	s0 =	simm.s32 @!p0 $0x8  }
0x22a: {  	_ =	swait.ge @!p0 [sflag:s0], s1  }
0x22b: {  	s1 =	ssub.s32 @!p0 $0x0, s1;
	[sflag:s0] =	ssyncset.done @!p0 $0x0  }
0x22c: {  	[sflag:s0] =	ssyncadd.s32 @!p0 s1  }
0x22d: {  	[bflag:$0x3] =	sbarrier.arrive $0xFFFF  }
0x22e: {  	_ =	shalt  }

</sc_bundles>
